<compile_context>
chip_gen: v7x
topology: tpu7x:2x2x1
jax: 0.10.2.dev20260603
libtpu: 0.0.44.dev20260713+nightly
codegen_flags: <defaults>
</compile_context>

<pallas_src>
import functools

import jax
import jax.numpy as jnp
from jax import lax
from jax.experimental import pallas as pl
from jax.experimental.pallas import tpu as pltpu
from jax.experimental.pallas import tpu_sc as plsc

NUM_SELECT = 300
B, Q, C = 64, 900, 91
N = Q * C
QP = 904
CP = 128
NSLAB = QP * CP
NV = NSLAB // 16
KSEL = 316
CAND = 384
CBUF = CAND + 16
BOXPAD = Q * 4 + 16
NW = 32
ROWS_PER_W = B // NW


def _sc_body(logits_hbm, cval_hbm, cidx_hbm,
             row_v, hist_v, cval_v, cidx_v):
    nc = 2
    wid = lax.axis_index("s") * nc + lax.axis_index("c")
    lane = lax.iota(jnp.int32, 16)
    lane_u = lane.astype(jnp.uint32)
    ones16 = jnp.ones((16,), jnp.int32)
    zeros16 = jnp.zeros((16,), jnp.int32)

    def key_of(i):
        x = row_v[i >> 3, pl.ds((i & 7) * 16, 16)]
        u = lax.bitcast_convert_type(x, jnp.uint32)
        return u ^ (jnp.uint32(0x80000000) | (jnp.uint32(0) - (u >> jnp.uint32(31))))

    def zero_hist():
        @plsc.parallel_loop(0, 256, unroll=8)
        def _zb(j):
            hist_v[pl.ds(j * 16, 16)] = zeros16

    def bucket_count(b):
        return jnp.sum(hist_v[pl.ds(b * 16, 16)])

    def locate(ksel):
        def tot(j):
            acc = hist_v[pl.ds(j * 256, 16)]
            for l in range(1, 16):
                acc = acc + hist_v[pl.ds(j * 256 + l * 16, 16)]
            return acc

        def gbody(i, c):
            run, j0, above, found = c
            j = 15 - i
            s = jnp.sum(tot(j))
            nrun = run + s
            cross = jnp.logical_and(jnp.logical_not(found), nrun >= ksel)
            j0 = jnp.where(cross, j, j0)
            above = jnp.where(cross, run, above)
            return (nrun, j0, above, jnp.logical_or(found, cross))

        _, j0, above_g, _ = lax.fori_loop(
            0, 16, gbody, (jnp.int32(0), jnp.int32(0), jnp.int32(0), False))

        def bbody(i, c):
            run, b0, above, found = c
            bb = j0 * 16 + 15 - i
            s = bucket_count(bb)
            nrun = run + s
            cross = jnp.logical_and(jnp.logical_not(found), nrun >= ksel)
            b0 = jnp.where(cross, bb, b0)
            above = jnp.where(cross, run, above)
            return (nrun, b0, above, jnp.logical_or(found, cross))

        _, b0, m_above, _ = lax.fori_loop(
            0, 16, bbody, (above_g, jnp.int32(0), above_g, False))
        return b0, m_above

    def do_row(t, _):
        r = wid * ROWS_PER_W + t
        pltpu.sync_copy(logits_hbm.at[pl.ds(r * QP, QP)], row_v)

        zero_hist()

        @plsc.parallel_loop(0, NV, unroll=8)
        def _h1(i):
            key = key_of(i)
            bkt = (key >> jnp.uint32(24)).astype(jnp.int32)
            plsc.addupdate_scatter(hist_v, [(bkt << 4) + lane], ones16)
        b0, m0 = locate(jnp.int32(KSEL))
        b0_u = b0.astype(jnp.uint32)

        zero_hist()

        @plsc.parallel_loop(0, NV, unroll=8)
        def _h2(i):
            key = key_of(i)
            msk = (key >> jnp.uint32(24)) == b0_u
            bkt = ((key >> jnp.uint32(16)) & jnp.uint32(0xFF)).astype(jnp.int32)
            plsc.addupdate_scatter(hist_v, [(bkt << 4) + lane], ones16, mask=msk)
        b1, _ = locate(jnp.int32(KSEL) - m0)
        p16_u = (b0 * 256 + b1).astype(jnp.uint32)

        for j in range(CBUF // 16):
            cval_v[pl.ds(j * 16, 16)] = jnp.full((16,), -jnp.inf, jnp.float32)
            cidx_v[pl.ds(j * 16, 16)] = jnp.full((16,), NSLAB, jnp.int32)

        @plsc.parallel_loop(0, NV, unroll=4, carry=zeros16)
        def _cb(i, off):
            x = row_v[i >> 3, pl.ds((i & 7) * 16, 16)]
            u = lax.bitcast_convert_type(x, jnp.uint32)
            key = u ^ (jnp.uint32(0x80000000) | (jnp.uint32(0) - (u >> jnp.uint32(31))))
            sel = (key >> jnp.uint32(16)) >= p16_u
            inc = sel.astype(jnp.int32)
            pos = jnp.minimum(off + plsc.cumsum(inc) - 1, CBUF - 1)
            plsc.store_scatter(cidx_v, [pos], i * 16 + lane, mask=sel)
            plsc.store_scatter(cval_v, [pos], x, mask=sel)
            return off + plsc.all_reduce_population_count(sel)

        pltpu.sync_copy(cval_v.at[pl.ds(0, CAND)], cval_hbm.at[r])
        pltpu.sync_copy(cidx_v.at[pl.ds(0, CAND)], cidx_hbm.at[r])
        return 0

    lax.fori_loop(0, ROWS_PER_W, do_row, 0)


def _sc_select(logits_pad):
    mesh = plsc.VectorSubcoreMesh(core_axis_name="c", subcore_axis_name="s")
    f = pl.kernel(
        _sc_body,
        out_type=(
            jax.ShapeDtypeStruct((B, CAND), jnp.float32),
            jax.ShapeDtypeStruct((B, CAND), jnp.int32),
        ),
        mesh=mesh,
        compiler_params=pltpu.CompilerParams(needs_layout_passes=False),
        scratch_types=(
            pltpu.VMEM((QP, CP), jnp.float32),
            pltpu.VMEM((4096,), jnp.int32),
            pltpu.VMEM((CBUF,), jnp.float32),
            pltpu.VMEM((CBUF,), jnp.int32),
        ),
    )
    return f(logits_pad)


RB = 16


def _rerank_body(cval_ref, cidx_ref, cbox_ref, ts_ref,
                 scores_ref, labels_ref, boxes_ref):
    val = cval_ref[...]
    idx = cidx_ref[...]
    prob = jax.nn.sigmoid(val)
    pi = prob[:, :, None]
    pj = prob[:, None, :]
    ii = idx[:, :, None]
    ij = idx[:, None, :]
    beats = (pj > pi) | ((pj == pi) & (ij < ii))
    rank = jnp.sum(beats.astype(jnp.int32), axis=2)
    sel = rank[:, :, None] == lax.broadcasted_iota(
        jnp.int32, (RB, CAND, NUM_SELECT), 2)
    P = sel.astype(jnp.float32)

    def permute(v):
        return lax.dot_general(
            v, P, (((1,), (1,)), ((0,), (0,))),
            precision=lax.Precision.HIGHEST,
            preferred_element_type=jnp.float32)

    scores_ref[...] = permute(prob)
    lab = (idx & (CP - 1)).astype(jnp.float32)
    labels_ref[...] = permute(lab).astype(jnp.int32)

    qi = permute((idx >> 7).astype(jnp.float32)).astype(jnp.int32)
    PQ = (qi[:, :, None] == lax.broadcasted_iota(
        jnp.int32, (RB, NUM_SELECT, Q), 2)).astype(jnp.float32)

    def gatherq(v):
        return lax.dot_general(
            PQ, v, (((2,), (1,)), ((0,), (0,))),
            precision=lax.Precision.HIGHEST,
            preferred_element_type=jnp.float32)

    cx = cbox_ref[0]
    cy = cbox_ref[1]
    w = cbox_ref[2]
    h = cbox_ref[3]
    img_h = ts_ref[:, 0].astype(jnp.float32)[:, None]
    img_w = ts_ref[:, 1].astype(jnp.float32)[:, None]
    boxes_ref[0] = gatherq((cx - 0.5 * w) * img_w)
    boxes_ref[1] = gatherq((cy - 0.5 * h) * img_h)
    boxes_ref[2] = gatherq((cx + 0.5 * w) * img_w)
    boxes_ref[3] = gatherq((cy + 0.5 * h) * img_h)


def _rerank(cval, cidx, cbox, target_sizes):
    grid = (B // RB,)
    return pl.pallas_call(
        _rerank_body,
        grid=grid,
        in_specs=[
            pl.BlockSpec((RB, CAND), lambda i: (i, 0)),
            pl.BlockSpec((RB, CAND), lambda i: (i, 0)),
            pl.BlockSpec((4, RB, Q), lambda i: (0, i, 0)),
            pl.BlockSpec((RB, 2), lambda i: (i, 0)),
        ],
        out_specs=[
            pl.BlockSpec((RB, NUM_SELECT), lambda i: (i, 0)),
            pl.BlockSpec((RB, NUM_SELECT), lambda i: (i, 0)),
            pl.BlockSpec((4, RB, NUM_SELECT), lambda i: (0, i, 0)),
        ],
        out_shape=[
            jax.ShapeDtypeStruct((B, NUM_SELECT), jnp.float32),
            jax.ShapeDtypeStruct((B, NUM_SELECT), jnp.int32),
            jax.ShapeDtypeStruct((4, B, NUM_SELECT), jnp.float32),
        ],
    )(cval, cidx, cbox, target_sizes)


def kernel(outputs_pred_logits, outputs_pred_boxes, target_sizes, image_names):
    logits_pad = jnp.pad(outputs_pred_logits,
                         ((0, 0), (0, QP - Q), (0, CP - C)),
                         constant_values=float("-inf"))
    boxes_q = jnp.transpose(outputs_pred_boxes, (2, 0, 1))
    cval, cidx = _sc_select(logits_pad.reshape(B * QP, CP))
    scores, labels, boxes_t = _rerank(cval, cidx, boxes_q, target_sizes)
    boxes = jnp.transpose(boxes_t, (1, 2, 0))
    return scores, labels, boxes, image_names, target_sizes

# --- scband reference (transcript-rebuilt; emitter-appended) ---
"""Pipeline reference for scband-post-process-12558484374151 (READ-ONLY COPY).

The authoritative reference and input builder live on the scoring server;
editing this copy changes nothing except your own understanding.
"""

import jax, jax.numpy as jnp
import numpy as np

NUM_SELECT = 300

def box_cxcywh_to_xyxy(x):
    cx, cy, w, h = jnp.split(x, 4, axis=-1)
    return jnp.concatenate([cx - 0.5 * w, cy - 0.5 * h, cx + 0.5 * w, cy + 0.5 * h], axis=-1)

def setup_inputs(seed: int = 0) -> dict:
    key = jax.random.key(seed)
    k1, k2, k3 = jax.random.split(key, 3)
    B, Q, C = 64, 900, 91
    outputs_pred_logits = jax.random.normal(k1, (B, Q, C), dtype=jnp.float32)
    outputs_pred_boxes = jax.random.uniform(k2, (B, Q, 4), dtype=jnp.float32)
    target_sizes = jax.random.randint(k3, (B, 2), 480, 1333).astype(jnp.int32)
    image_names = jnp.arange(B, dtype=jnp.int32)
    return {
        "outputs_pred_logits": outputs_pred_logits,
        "outputs_pred_boxes": outputs_pred_boxes,
        "target_sizes": target_sizes,
        "image_names": image_names,
    }

def reference(outputs_pred_logits, outputs_pred_boxes, target_sizes, image_names):
    out_logits = outputs_pred_logits
    out_bbox = outputs_pred_boxes
    B, Q, C = out_logits.shape
    prob = jax.nn.sigmoid(out_logits)
    topk_values, topk_indexes = jax.lax.top_k(prob.reshape(B, -1), NUM_SELECT)
    scores = topk_values
    topk_boxes = topk_indexes // C
    labels = topk_indexes % C
    boxes = box_cxcywh_to_xyxy(out_bbox)
    gather_idx = jnp.broadcast_to(topk_boxes[:, :, None], (B, NUM_SELECT, 4))
    boxes = jnp.take_along_axis(boxes, gather_idx, axis=1)
    img_h = target_sizes[:, 0].astype(jnp.float32)
    img_w = target_sizes[:, 1].astype(jnp.float32)
    scale_fct = jnp.stack([img_w, img_h, img_w, img_h], axis=1)
    boxes = boxes * scale_fct[:, None, :]
    return scores, labels, boxes, image_names, target_sizes

if __name__ == "__main__":
    import jax
    _d = setup_inputs()
    print(jax.jit(kernel)(*tuple(_d.values())))

</pallas_src>

<mosaic_0001>
#map = affine_map<(d0, d1) -> (0, 0)>
module attributes {stable_mosaic.version = 14 : i64} {
  func.func @_sc_body(%arg0: i32, %arg1: i32, %arg2: memref<57856x128xf32, #tpu.memory_space<hbm>>, %arg3: memref<64x384xf32, #tpu.memory_space<hbm>>, %arg4: memref<64x384xi32, #tpu.memory_space<hbm>>, %arg5: memref<904x128xf32, #tpu.memory_space<vmem>>, %arg6: memref<4096xi32, #tpu.memory_space<vmem>>, %arg7: memref<400xf32, #tpu.memory_space<vmem>>, %arg8: memref<400xi32, #tpu.memory_space<vmem>>) attributes {dimension_semantics = [#tpu.dimension_semantics<core_parallel>, #tpu.dimension_semantics<subcore_parallel>], iteration_bounds = array<i64: 2, 16>, scalar_prefetch = 0 : i64, scratch_operands = 4 : i64, tpu.core_type = #tpu.core_type<sc_vector_subcore>, window_params = [{transform_indices = #map}, {transform_indices = #map}, {transform_indices = #map}]} {
    %mul3A = arith.constant 2 : i32
    %mul3A_0 = arith.muli %arg1, %mul3A : i32
    %add3A = arith.addi %mul3A_0, %arg0 : i32
    %iota3A = tpu.iota {dimensions = array<i32: 0>} : vector<16xi32>
    %broadcast_in_dim3A = arith.constant 1 : i32
    %broadcast_in_dim3A_1 = vector.broadcast %broadcast_in_dim3A : i32 to vector<16xi32>
    %broadcast_in_dim3A_2 = arith.constant 0 : i32
    %broadcast_in_dim3A_3 = vector.broadcast %broadcast_in_dim3A_2 : i32 to vector<16xi32>
    %scan3A = arith.constant 0 : i32
    %scan3A_4 = arith.constant 0 : i32
    %scan3A_5 = arith.constant 2 : i32
    %scan3A_6 = arith.addi %scan3A_4, %scan3A_5 : i32
    %scan3A_7 = arith.constant 1 : i32
    %scan3A_8 = scf.for %scan3A_10 = %scan3A_4 to %scan3A_6 step %scan3A_7 iter_args(%scan3A_11 = %scan3A) -> (i32)  : i32 {
      %mul3A_12 = arith.constant 2 : i32
      %mul3A_13 = arith.muli %add3A, %mul3A_12 : i32
      %add3A_14 = arith.addi %mul3A_13, %scan3A_10 : i32
      %mul3A_15 = arith.constant 904 : i32
      %mul3A_16 = arith.muli %add3A_14, %mul3A_15 : i32
      "tpu.region"() ({
        %run_scoped3A = tpu.sem_alloc : memref<!tpu.dma_semaphore, #tpu.memory_space<semaphore_mem>>
        %dma_start3A = arith.constant 0 : i32
        %dma_start3A_274 = tpu.memref_slice %arg2[%mul3A_16, %dma_start3A] : memref<57856x128xf32, #tpu.memory_space<hbm>> -> memref<904x128xf32, #tpu.memory_space<hbm>>
        %dma_start3A_275 = arith.constant 0 : i32
        %dma_start3A_276 = tpu.memref_slice %arg2[%mul3A_16, %dma_start3A_275] : memref<57856x128xf32, #tpu.memory_space<hbm>> -> memref<904x128xf32, #tpu.memory_space<hbm>>
        tpu.enqueue_dma source(%dma_start3A_276 : memref<904x128xf32, #tpu.memory_space<hbm>>) target(%arg5 : memref<904x128xf32, #tpu.memory_space<vmem>>) target_semaphore(%run_scoped3A : memref<!tpu.dma_semaphore, #tpu.memory_space<semaphore_mem>>)
        %dma_wait3A = arith.constant 0 : i32
        %dma_wait3A_277 = tpu.memref_slice %arg2[%mul3A_16, %dma_wait3A] : memref<57856x128xf32, #tpu.memory_space<hbm>> -> memref<904x128xf32, #tpu.memory_space<hbm>>
        %dma_wait3A_278 = arith.constant 0 : i32
        %dma_wait3A_279 = tpu.memref_slice %arg2[%mul3A_16, %dma_wait3A_278] : memref<57856x128xf32, #tpu.memory_space<hbm>> -> memref<904x128xf32, #tpu.memory_space<hbm>>
        tpu.wait_dma2 semaphore(%run_scoped3A : memref<!tpu.dma_semaphore, #tpu.memory_space<semaphore_mem>>) src(%dma_wait3A_279 : memref<904x128xf32, #tpu.memory_space<hbm>>) dst(%arg5 : memref<904x128xf32, #tpu.memory_space<vmem>>)
        tpu.yield
      }) : () -> ()
      %parallel_loop3A = arith.constant 0 : i32
      %parallel_loop3A_17 = arith.constant 256 : i32
      %parallel_loop3A_18 = arith.constant 1 : i32
      scf.for %parallel_loop3A_274 = %parallel_loop3A to %parallel_loop3A_17 step %parallel_loop3A_18  : i32 {
        %parallel_loop3A_275 = arith.constant 16 : i32
        %parallel_loop3A_276 = arith.muli %parallel_loop3A_274, %parallel_loop3A_275 : i32
        %parallel_loop3A_277 = arith.index_cast %parallel_loop3A_276 : i32 to index
        %parallel_loop3A_278 = tpu.vector_load %arg6[%parallel_loop3A_277] {strides = array<i32>} : memref<4096xi32, #tpu.memory_space<vmem>>, vector<16xi32>,
        tpu.vector_store %arg6[%parallel_loop3A_277], %broadcast_in_dim3A_3 {strides = array<i32>} : memref<4096xi32, #tpu.memory_space<vmem>>, vector<16xi32>,
      } {sc.loop_unroll_factor = 8 : i64, sc.parallel_access}
      %parallel_loop3A_19 = arith.constant 0 : i32
      %parallel_loop3A_20 = arith.constant 7232 : i32
      %parallel_loop3A_21 = arith.constant 1 : i32
      scf.for %parallel_loop3A_274 = %parallel_loop3A_19 to %parallel_loop3A_20 step %parallel_loop3A_21  : i32 {
        %parallel_loop3A_275 = arith.constant 3 : i32
        %parallel_loop3A_276 = arith.shrsi %parallel_loop3A_274, %parallel_loop3A_275 : i32
        %parallel_loop3A_277 = arith.constant 7 : i32
        %parallel_loop3A_278 = arith.andi %parallel_loop3A_274, %parallel_loop3A_277 : i32
        %parallel_loop3A_279 = arith.constant 16 : i32
        %parallel_loop3A_280 = arith.muli %parallel_loop3A_278, %parallel_loop3A_279 : i32
        %parallel_loop3A_281 = arith.index_cast %parallel_loop3A_276 : i32 to index
        %parallel_loop3A_282 = arith.index_cast %parallel_loop3A_280 : i32 to index
        %parallel_loop3A_283 = tpu.vector_load %arg5[%parallel_loop3A_281, %parallel_loop3A_282] {strides = array<i32>} : memref<904x128xf32, #tpu.memory_space<vmem>>, vector<16xf32>,
        %parallel_loop3A_284 = tpu.bitcast %parallel_loop3A_283 : vector<16xf32> -> vector<16xi32>
        %parallel_loop3A_285 = arith.constant 31 : i32
        %parallel_loop3A_286 = vector.broadcast %parallel_loop3A_285 : i32 to vector<16xi32>
        %parallel_loop3A_287 = arith.shrui %parallel_loop3A_284, %parallel_loop3A_286 : vector<16xi32>
        %parallel_loop3A_288 = arith.constant 0 : i32
        %parallel_loop3A_289 = vector.broadcast %parallel_loop3A_288 : i32 to vector<16xi32>
        %parallel_loop3A_290 = arith.subi %parallel_loop3A_289, %parallel_loop3A_287 : vector<16xi32>
        %parallel_loop3A_291 = arith.constant -2147483648 : i32
        %parallel_loop3A_292 = vector.broadcast %parallel_loop3A_291 : i32 to vector<16xi32>
        %parallel_loop3A_293 = arith.ori %parallel_loop3A_292, %parallel_loop3A_290 : vector<16xi32>
        %parallel_loop3A_294 = arith.xori %parallel_loop3A_284, %parallel_loop3A_293 : vector<16xi32>
        %parallel_loop3A_295 = arith.constant 24 : i32
        %parallel_loop3A_296 = vector.broadcast %parallel_loop3A_295 : i32 to vector<16xi32>
        %parallel_loop3A_297 = arith.shrui %parallel_loop3A_294, %parallel_loop3A_296 : vector<16xi32>
        %parallel_loop3A_298 = arith.constant 4 : i32
        %parallel_loop3A_299 = vector.broadcast %parallel_loop3A_298 : i32 to vector<16xi32>
        %parallel_loop3A_300 = arith.shli %parallel_loop3A_297, %parallel_loop3A_299 : vector<16xi32>
        %parallel_loop3A_301 = arith.addi %parallel_loop3A_300, %iota3A : vector<16xi32>
        tpu.vector_store_idx %arg6[%parallel_loop3A_301], %broadcast_in_dim3A_1 {add = true} : memref<4096xi32, #tpu.memory_space<vmem>>[vector<16xi32>], vector<16xi32>,
      } {sc.loop_unroll_factor = 8 : i64, sc.parallel_access}
      %scan3A_22 = arith.constant 316 : i32
      %scan3A_23 = arith.constant 0 : i32
      %scan3A_24 = arith.constant 0 : i32
      %scan3A_25 = arith.constant 0 : i32
      %scan3A_26 = arith.constant false
      %scan3A_27 = arith.constant 0 : i32
      %scan3A_28 = arith.constant 16 : i32
      %scan3A_29 = arith.addi %scan3A_27, %scan3A_28 : i32
      %scan3A_30 = arith.constant 1 : i32
      %scan3A_31:4 = scf.for %scan3A_274 = %scan3A_27 to %scan3A_29 step %scan3A_30 iter_args(%scan3A_275 = %scan3A_23, %scan3A_276 = %scan3A_24, %scan3A_277 = %scan3A_25, %scan3A_278 = %scan3A_26) -> (i32, i32, i32, i1)  : i32 {
        %sub3A_279 = arith.constant 15 : i32
        %sub3A_280 = arith.subi %sub3A_279, %scan3A_274 : i32
        %mul3A_281 = arith.constant 256 : i32
        %mul3A_282 = arith.muli %sub3A_280, %mul3A_281 : i32
        %get3A = arith.index_cast %mul3A_282 : i32 to index
        %get3A_283 = tpu.vector_load %arg6[%get3A] {strides = array<i32>} : memref<4096xi32, #tpu.memory_space<vmem>>, vector<16xi32>,
        %mul3A_284 = arith.constant 256 : i32
        %mul3A_285 = arith.muli %sub3A_280, %mul3A_284 : i32
        %add3A_286 = arith.constant 16 : i32
        %add3A_287 = arith.addi %mul3A_285, %add3A_286 : i32
        %get3A_288 = arith.index_cast %add3A_287 : i32 to index
        %get3A_289 = tpu.vector_load %arg6[%get3A_288] {strides = array<i32>} : memref<4096xi32, #tpu.memory_space<vmem>>, vector<16xi32>,
        %add3A_290 = arith.addi %get3A_283, %get3A_289 : vector<16xi32>
        %mul3A_291 = arith.constant 256 : i32
        %mul3A_292 = arith.muli %sub3A_280, %mul3A_291 : i32
        %add3A_293 = arith.constant 32 : i32
        %add3A_294 = arith.addi %mul3A_292, %add3A_293 : i32
        %get3A_295 = arith.index_cast %add3A_294 : i32 to index
        %get3A_296 = tpu.vector_load %arg6[%get3A_295] {strides = array<i32>} : memref<4096xi32, #tpu.memory_space<vmem>>, vector<16xi32>,
        %add3A_297 = arith.addi %add3A_290, %get3A_296 : vector<16xi32>
        %mul3A_298 = arith.constant 256 : i32
        %mul3A_299 = arith.muli %sub3A_280, %mul3A_298 : i32
        %add3A_300 = arith.constant 48 : i32
        %add3A_301 = arith.addi %mul3A_299, %add3A_300 : i32
        %get3A_302 = arith.index_cast %add3A_301 : i32 to index
        %get3A_303 = tpu.vector_load %arg6[%get3A_302] {strides = array<i32>} : memref<4096xi32, #tpu.memory_space<vmem>>, vector<16xi32>,
        %add3A_304 = arith.addi %add3A_297, %get3A_303 : vector<16xi32>
        %mul3A_305 = arith.constant 256 : i32
        %mul3A_306 = arith.muli %sub3A_280, %mul3A_305 : i32
        %add3A_307 = arith.constant 64 : i32
        %add3A_308 = arith.addi %mul3A_306, %add3A_307 : i32
        %get3A_309 = arith.index_cast %add3A_308 : i32 to index
        %get3A_310 = tpu.vector_load %arg6[%get3A_309] {strides = array<i32>} : memref<4096xi32, #tpu.memory_space<vmem>>, vector<16xi32>,
        %add3A_311 = arith.addi %add3A_304, %get3A_310 : vector<16xi32>
        %mul3A_312 = arith.constant 256 : i32
        %mul3A_313 = arith.muli %sub3A_280, %mul3A_312 : i32
        %add3A_314 = arith.constant 80 : i32
        %add3A_315 = arith.addi %mul3A_313, %add3A_314 : i32
        %get3A_316 = arith.index_cast %add3A_315 : i32 to index
        %get3A_317 = tpu.vector_load %arg6[%get3A_316] {strides = array<i32>} : memref<4096xi32, #tpu.memory_space<vmem>>, vector<16xi32>,
        %add3A_318 = arith.addi %add3A_311, %get3A_317 : vector<16xi32>
        %mul3A_319 = arith.constant 256 : i32
        %mul3A_320 = arith.muli %sub3A_280, %mul3A_319 : i32
        %add3A_321 = arith.constant 96 : i32
        %add3A_322 = arith.addi %mul3A_320, %add3A_321 : i32
        %get3A_323 = arith.index_cast %add3A_322 : i32 to index
        %get3A_324 = tpu.vector_load %arg6[%get3A_323] {strides = array<i32>} : memref<4096xi32, #tpu.memory_space<vmem>>, vector<16xi32>,
        %add3A_325 = arith.addi %add3A_318, %get3A_324 : vector<16xi32>
        %mul3A_326 = arith.constant 256 : i32
        %mul3A_327 = arith.muli %sub3A_280, %mul3A_326 : i32
        %add3A_328 = arith.constant 112 : i32
        %add3A_329 = arith.addi %mul3A_327, %add3A_328 : i32
        %get3A_330 = arith.index_cast %add3A_329 : i32 to index
        %get3A_331 = tpu.vector_load %arg6[%get3A_330] {strides = array<i32>} : memref<4096xi32, #tpu.memory_space<vmem>>, vector<16xi32>,
        %add3A_332 = arith.addi %add3A_325, %get3A_331 : vector<16xi32>
        %mul3A_333 = arith.constant 256 : i32
        %mul3A_334 = arith.muli %sub3A_280, %mul3A_333 : i32
        %add3A_335 = arith.constant 128 : i32
        %add3A_336 = arith.addi %mul3A_334, %add3A_335 : i32
        %get3A_337 = arith.index_cast %add3A_336 : i32 to index
        %get3A_338 = tpu.vector_load %arg6[%get3A_337] {strides = array<i32>} : memref<4096xi32, #tpu.memory_space<vmem>>, vector<16xi32>,
        %add3A_339 = arith.addi %add3A_332, %get3A_338 : vector<16xi32>
        %mul3A_340 = arith.constant 256 : i32
        %mul3A_341 = arith.muli %sub3A_280, %mul3A_340 : i32
        %add3A_342 = arith.constant 144 : i32
        %add3A_343 = arith.addi %mul3A_341, %add3A_342 : i32
        %get3A_344 = arith.index_cast %add3A_343 : i32 to index
        %get3A_345 = tpu.vector_load %arg6[%get3A_344] {strides = array<i32>} : memref<4096xi32, #tpu.memory_space<vmem>>, vector<16xi32>,
        %add3A_346 = arith.addi %add3A_339, %get3A_345 : vector<16xi32>
        %mul3A_347 = arith.constant 256 : i32
        %mul3A_348 = arith.muli %sub3A_280, %mul3A_347 : i32
        %add3A_349 = arith.constant 160 : i32
        %add3A_350 = arith.addi %mul3A_348, %add3A_349 : i32
        %get3A_351 = arith.index_cast %add3A_350 : i32 to index
        %get3A_352 = tpu.vector_load %arg6[%get3A_351] {strides = array<i32>} : memref<4096xi32, #tpu.memory_space<vmem>>, vector<16xi32>,
        %add3A_353 = arith.addi %add3A_346, %get3A_352 : vector<16xi32>
        %mul3A_354 = arith.constant 256 : i32
        %mul3A_355 = arith.muli %sub3A_280, %mul3A_354 : i32
        %add3A_356 = arith.constant 176 : i32
        %add3A_357 = arith.addi %mul3A_355, %add3A_356 : i32
        %get3A_358 = arith.index_cast %add3A_357 : i32 to index
        %get3A_359 = tpu.vector_load %arg6[%get3A_358] {strides = array<i32>} : memref<4096xi32, #tpu.memory_space<vmem>>, vector<16xi32>,
        %add3A_360 = arith.addi %add3A_353, %get3A_359 : vector<16xi32>
        %mul3A_361 = arith.constant 256 : i32
        %mul3A_362 = arith.muli %sub3A_280, %mul3A_361 : i32
        %add3A_363 = arith.constant 192 : i32
        %add3A_364 = arith.addi %mul3A_362, %add3A_363 : i32
        %get3A_365 = arith.index_cast %add3A_364 : i32 to index
        %get3A_366 = tpu.vector_load %arg6[%get3A_365] {strides = array<i32>} : memref<4096xi32, #tpu.memory_space<vmem>>, vector<16xi32>,
        %add3A_367 = arith.addi %add3A_360, %get3A_366 : vector<16xi32>
        %mul3A_368 = arith.constant 256 : i32
        %mul3A_369 = arith.muli %sub3A_280, %mul3A_368 : i32
        %add3A_370 = arith.constant 208 : i32
        %add3A_371 = arith.addi %mul3A_369, %add3A_370 : i32
        %get3A_372 = arith.index_cast %add3A_371 : i32 to index
        %get3A_373 = tpu.vector_load %arg6[%get3A_372] {strides = array<i32>} : memref<4096xi32, #tpu.memory_space<vmem>>, vector<16xi32>,
        %add3A_374 = arith.addi %add3A_367, %get3A_373 : vector<16xi32>
        %mul3A_375 = arith.constant 256 : i32
        %mul3A_376 = arith.muli %sub3A_280, %mul3A_375 : i32
        %add3A_377 = arith.constant 224 : i32
        %add3A_378 = arith.addi %mul3A_376, %add3A_377 : i32
        %get3A_379 = arith.index_cast %add3A_378 : i32 to index
        %get3A_380 = tpu.vector_load %arg6[%get3A_379] {strides = array<i32>} : memref<4096xi32, #tpu.memory_space<vmem>>, vector<16xi32>,
        %add3A_381 = arith.addi %add3A_374, %get3A_380 : vector<16xi32>
        %mul3A_382 = arith.constant 256 : i32
        %mul3A_383 = arith.muli %sub3A_280, %mul3A_382 : i32
        %add3A_384 = arith.constant 240 : i32
        %add3A_385 = arith.addi %mul3A_383, %add3A_384 : i32
        %get3A_386 = arith.index_cast %add3A_385 : i32 to index
        %get3A_387 = tpu.vector_load %arg6[%get3A_386] {strides = array<i32>} : memref<4096xi32, #tpu.memory_space<vmem>>, vector<16xi32>,
        %add3A_388 = arith.addi %add3A_381, %get3A_387 : vector<16xi32>
        %reduce_sum3A = arith.constant true
        %reduce_sum3A_389 = vector.broadcast %reduce_sum3A : i1 to vector<16xi1>
        %reduce_sum3A_390 = tpu.scan <sum>, %add3A_388 masked %reduce_sum3A_389 : vector<16xi32>, vector<16xi1> -> vector<16xi32>
        %reduce_sum3A_391 = vector.extract %reduce_sum3A_390[15] : i32 from vector<16xi32>
        %add3A_392 = arith.addi %scan3A_275, %reduce_sum3A_391 : i32
        %not3A = arith.constant true
        %not3A_393 = arith.xori %scan3A_278, %not3A : i1
        %ge3A = arith.cmpi sge, %add3A_392, %scan3A_22 : i32
        %and3A = arith.andi %not3A_393, %ge3A : i1
        %select_n3A = arith.select %and3A, %sub3A_280, %scan3A_276 : i32
        %select_n3A_394 = arith.select %and3A, %scan3A_275, %scan3A_277 : i32
        %or3A = arith.ori %scan3A_278, %and3A : i1
        scf.yield %add3A_392, %select_n3A, %select_n3A_394, %or3A : i32, i32, i32, i1
      }
      %scan3A_32 = arith.constant 16 : i32
      %scan3A_33 = arith.constant 316 : i32
      %scan3A_34 = arith.constant 0 : i32
      %scan3A_35 = arith.constant false
      %scan3A_36 = arith.constant 0 : i32
      %scan3A_37 = arith.constant 16 : i32
      %scan3A_38 = arith.addi %scan3A_36, %scan3A_37 : i32
      %scan3A_39 = arith.constant 1 : i32
      %scan3A_40:4 = scf.for %scan3A_274 = %scan3A_36 to %scan3A_38 step %scan3A_39 iter_args(%scan3A_275 = %scan3A_31#2, %scan3A_276 = %scan3A_34, %scan3A_277 = %scan3A_31#2, %scan3A_278 = %scan3A_35) -> (i32, i32, i32, i1)  : i32 {
        %mul3A_279 = arith.constant 16 : i32
        %mul3A_280 = arith.muli %scan3A_31#1, %mul3A_279 : i32
        %add3A_281 = arith.constant 15 : i32
        %add3A_282 = arith.addi %mul3A_280, %add3A_281 : i32
        %sub3A_283 = arith.subi %add3A_282, %scan3A_274 : i32
        %mul3A_284 = arith.constant 16 : i32
        %mul3A_285 = arith.muli %sub3A_283, %mul3A_284 : i32
        %get3A = arith.index_cast %mul3A_285 : i32 to index
        %get3A_286 = tpu.vector_load %arg6[%get3A] {strides = array<i32>} : memref<4096xi32, #tpu.memory_space<vmem>>, vector<16xi32>,
        %reduce_sum3A = arith.constant true
        %reduce_sum3A_287 = vector.broadcast %reduce_sum3A : i1 to vector<16xi1>
        %reduce_sum3A_288 = tpu.scan <sum>, %get3A_286 masked %reduce_sum3A_287 : vector<16xi32>, vector<16xi1> -> vector<16xi32>
        %reduce_sum3A_289 = vector.extract %reduce_sum3A_288[15] : i32 from vector<16xi32>
        %add3A_290 = arith.addi %scan3A_275, %reduce_sum3A_289 : i32
        %not3A = arith.constant true
        %not3A_291 = arith.xori %scan3A_278, %not3A : i1
        %ge3A = arith.cmpi sge, %add3A_290, %scan3A_33 : i32
        %and3A = arith.andi %not3A_291, %ge3A : i1
        %select_n3A = arith.select %and3A, %sub3A_283, %scan3A_276 : i32
        %select_n3A_292 = arith.select %and3A, %scan3A_275, %scan3A_277 : i32
        %or3A = arith.ori %scan3A_278, %and3A : i1
        scf.yield %add3A_290, %select_n3A, %select_n3A_292, %or3A : i32, i32, i32, i1
      }
      %scan3A_41 = arith.constant 16 : i32
      %parallel_loop3A_42 = arith.constant 0 : i32
      %parallel_loop3A_43 = arith.constant 256 : i32
      %parallel_loop3A_44 = arith.constant 1 : i32
      scf.for %parallel_loop3A_274 = %parallel_loop3A_42 to %parallel_loop3A_43 step %parallel_loop3A_44  : i32 {
        %parallel_loop3A_275 = arith.constant 16 : i32
        %parallel_loop3A_276 = arith.muli %parallel_loop3A_274, %parallel_loop3A_275 : i32
        %parallel_loop3A_277 = arith.index_cast %parallel_loop3A_276 : i32 to index
        %parallel_loop3A_278 = tpu.vector_load %arg6[%parallel_loop3A_277] {strides = array<i32>} : memref<4096xi32, #tpu.memory_space<vmem>>, vector<16xi32>,
        tpu.vector_store %arg6[%parallel_loop3A_277], %broadcast_in_dim3A_3 {strides = array<i32>} : memref<4096xi32, #tpu.memory_space<vmem>>, vector<16xi32>,
      } {sc.loop_unroll_factor = 8 : i64, sc.parallel_access}
      %parallel_loop3A_45 = arith.constant 0 : i32
      %parallel_loop3A_46 = arith.constant 7232 : i32
      %parallel_loop3A_47 = arith.constant 1 : i32
      scf.for %parallel_loop3A_274 = %parallel_loop3A_45 to %parallel_loop3A_46 step %parallel_loop3A_47  : i32 {
        %parallel_loop3A_275 = arith.constant 3 : i32
        %parallel_loop3A_276 = arith.shrsi %parallel_loop3A_274, %parallel_loop3A_275 : i32
        %parallel_loop3A_277 = arith.constant 7 : i32
        %parallel_loop3A_278 = arith.andi %parallel_loop3A_274, %parallel_loop3A_277 : i32
        %parallel_loop3A_279 = arith.constant 16 : i32
        %parallel_loop3A_280 = arith.muli %parallel_loop3A_278, %parallel_loop3A_279 : i32
        %parallel_loop3A_281 = arith.index_cast %parallel_loop3A_276 : i32 to index
        %parallel_loop3A_282 = arith.index_cast %parallel_loop3A_280 : i32 to index
        %parallel_loop3A_283 = tpu.vector_load %arg5[%parallel_loop3A_281, %parallel_loop3A_282] {strides = array<i32>} : memref<904x128xf32, #tpu.memory_space<vmem>>, vector<16xf32>,
        %parallel_loop3A_284 = tpu.bitcast %parallel_loop3A_283 : vector<16xf32> -> vector<16xi32>
        %parallel_loop3A_285 = arith.constant 31 : i32
        %parallel_loop3A_286 = vector.broadcast %parallel_loop3A_285 : i32 to vector<16xi32>
        %parallel_loop3A_287 = arith.shrui %parallel_loop3A_284, %parallel_loop3A_286 : vector<16xi32>
        %parallel_loop3A_288 = arith.constant 0 : i32
        %parallel_loop3A_289 = vector.broadcast %parallel_loop3A_288 : i32 to vector<16xi32>
        %parallel_loop3A_290 = arith.subi %parallel_loop3A_289, %parallel_loop3A_287 : vector<16xi32>
        %parallel_loop3A_291 = arith.constant -2147483648 : i32
        %parallel_loop3A_292 = vector.broadcast %parallel_loop3A_291 : i32 to vector<16xi32>
        %parallel_loop3A_293 = arith.ori %parallel_loop3A_292, %parallel_loop3A_290 : vector<16xi32>
        %parallel_loop3A_294 = arith.xori %parallel_loop3A_284, %parallel_loop3A_293 : vector<16xi32>
        %parallel_loop3A_295 = arith.constant 24 : i32
        %parallel_loop3A_296 = vector.broadcast %parallel_loop3A_295 : i32 to vector<16xi32>
        %parallel_loop3A_297 = arith.shrui %parallel_loop3A_294, %parallel_loop3A_296 : vector<16xi32>
        %parallel_loop3A_298 = vector.broadcast %scan3A_40#1 : i32 to vector<16xi32>
        %parallel_loop3A_299 = arith.cmpi eq, %parallel_loop3A_297, %parallel_loop3A_298 : vector<16xi32>
        %parallel_loop3A_300 = arith.constant 16 : i32
        %parallel_loop3A_301 = vector.broadcast %parallel_loop3A_300 : i32 to vector<16xi32>
        %parallel_loop3A_302 = arith.shrui %parallel_loop3A_294, %parallel_loop3A_301 : vector<16xi32>
        %parallel_loop3A_303 = arith.constant 255 : i32
        %parallel_loop3A_304 = vector.broadcast %parallel_loop3A_303 : i32 to vector<16xi32>
        %parallel_loop3A_305 = arith.andi %parallel_loop3A_302, %parallel_loop3A_304 : vector<16xi32>
        %parallel_loop3A_306 = arith.constant 4 : i32
        %parallel_loop3A_307 = vector.broadcast %parallel_loop3A_306 : i32 to vector<16xi32>
        %parallel_loop3A_308 = arith.shli %parallel_loop3A_305, %parallel_loop3A_307 : vector<16xi32>
        %parallel_loop3A_309 = arith.addi %parallel_loop3A_308, %iota3A : vector<16xi32>
        tpu.vector_store_idx %arg6[%parallel_loop3A_309], %broadcast_in_dim3A_1 masked %parallel_loop3A_299 {add = true} : memref<4096xi32, #tpu.memory_space<vmem>>[vector<16xi32>], vector<16xi32>, vector<16xi1>
      } {sc.loop_unroll_factor = 8 : i64, sc.parallel_access}
      %sub3A = arith.constant 316 : i32
      %sub3A_48 = arith.subi %sub3A, %scan3A_40#2 : i32
      %scan3A_49 = arith.constant 0 : i32
      %scan3A_50 = arith.constant 0 : i32
      %scan3A_51 = arith.constant 0 : i32
      %scan3A_52 = arith.constant false
      %scan3A_53 = arith.constant 0 : i32
      %scan3A_54 = arith.constant 16 : i32
      %scan3A_55 = arith.addi %scan3A_53, %scan3A_54 : i32
      %scan3A_56 = arith.constant 1 : i32
      %scan3A_57:4 = scf.for %scan3A_274 = %scan3A_53 to %scan3A_55 step %scan3A_56 iter_args(%scan3A_275 = %scan3A_49, %scan3A_276 = %scan3A_50, %scan3A_277 = %scan3A_51, %scan3A_278 = %scan3A_52) -> (i32, i32, i32, i1)  : i32 {
        %sub3A_279 = arith.constant 15 : i32
        %sub3A_280 = arith.subi %sub3A_279, %scan3A_274 : i32
        %mul3A_281 = arith.constant 256 : i32
        %mul3A_282 = arith.muli %sub3A_280, %mul3A_281 : i32
        %get3A = arith.index_cast %mul3A_282 : i32 to index
        %get3A_283 = tpu.vector_load %arg6[%get3A] {strides = array<i32>} : memref<4096xi32, #tpu.memory_space<vmem>>, vector<16xi32>,
        %mul3A_284 = arith.constant 256 : i32
        %mul3A_285 = arith.muli %sub3A_280, %mul3A_284 : i32
        %add3A_286 = arith.constant 16 : i32
        %add3A_287 = arith.addi %mul3A_285, %add3A_286 : i32
        %get3A_288 = arith.index_cast %add3A_287 : i32 to index
        %get3A_289 = tpu.vector_load %arg6[%get3A_288] {strides = array<i32>} : memref<4096xi32, #tpu.memory_space<vmem>>, vector<16xi32>,
        %add3A_290 = arith.addi %get3A_283, %get3A_289 : vector<16xi32>
        %mul3A_291 = arith.constant 256 : i32
        %mul3A_292 = arith.muli %sub3A_280, %mul3A_291 : i32
        %add3A_293 = arith.constant 32 : i32
        %add3A_294 = arith.addi %mul3A_292, %add3A_293 : i32
        %get3A_295 = arith.index_cast %add3A_294 : i32 to index
        %get3A_296 = tpu.vector_load %arg6[%get3A_295] {strides = array<i32>} : memref<4096xi32, #tpu.memory_space<vmem>>, vector<16xi32>,
        %add3A_297 = arith.addi %add3A_290, %get3A_296 : vector<16xi32>
        %mul3A_298 = arith.constant 256 : i32
        %mul3A_299 = arith.muli %sub3A_280, %mul3A_298 : i32
        %add3A_300 = arith.constant 48 : i32
        %add3A_301 = arith.addi %mul3A_299, %add3A_300 : i32
        %get3A_302 = arith.index_cast %add3A_301 : i32 to index
        %get3A_303 = tpu.vector_load %arg6[%get3A_302] {strides = array<i32>} : memref<4096xi32, #tpu.memory_space<vmem>>, vector<16xi32>,
        %add3A_304 = arith.addi %add3A_297, %get3A_303 : vector<16xi32>
        %mul3A_305 = arith.constant 256 : i32
        %mul3A_306 = arith.muli %sub3A_280, %mul3A_305 : i32
        %add3A_307 = arith.constant 64 : i32
        %add3A_308 = arith.addi %mul3A_306, %add3A_307 : i32
        %get3A_309 = arith.index_cast %add3A_308 : i32 to index
        %get3A_310 = tpu.vector_load %arg6[%get3A_309] {strides = array<i32>} : memref<4096xi32, #tpu.memory_space<vmem>>, vector<16xi32>,
        %add3A_311 = arith.addi %add3A_304, %get3A_310 : vector<16xi32>
        %mul3A_312 = arith.constant 256 : i32
        %mul3A_313 = arith.muli %sub3A_280, %mul3A_312 : i32
        %add3A_314 = arith.constant 80 : i32
        %add3A_315 = arith.addi %mul3A_313, %add3A_314 : i32
        %get3A_316 = arith.index_cast %add3A_315 : i32 to index
        %get3A_317 = tpu.vector_load %arg6[%get3A_316] {strides = array<i32>} : memref<4096xi32, #tpu.memory_space<vmem>>, vector<16xi32>,
        %add3A_318 = arith.addi %add3A_311, %get3A_317 : vector<16xi32>
        %mul3A_319 = arith.constant 256 : i32
        %mul3A_320 = arith.muli %sub3A_280, %mul3A_319 : i32
        %add3A_321 = arith.constant 96 : i32
        %add3A_322 = arith.addi %mul3A_320, %add3A_321 : i32
        %get3A_323 = arith.index_cast %add3A_322 : i32 to index
        %get3A_324 = tpu.vector_load %arg6[%get3A_323] {strides = array<i32>} : memref<4096xi32, #tpu.memory_space<vmem>>, vector<16xi32>,
        %add3A_325 = arith.addi %add3A_318, %get3A_324 : vector<16xi32>
        %mul3A_326 = arith.constant 256 : i32
        %mul3A_327 = arith.muli %sub3A_280, %mul3A_326 : i32
        %add3A_328 = arith.constant 112 : i32
        %add3A_329 = arith.addi %mul3A_327, %add3A_328 : i32
        %get3A_330 = arith.index_cast %add3A_329 : i32 to index
        %get3A_331 = tpu.vector_load %arg6[%get3A_330] {strides = array<i32>} : memref<4096xi32, #tpu.memory_space<vmem>>, vector<16xi32>,
        %add3A_332 = arith.addi %add3A_325, %get3A_331 : vector<16xi32>
        %mul3A_333 = arith.constant 256 : i32
        %mul3A_334 = arith.muli %sub3A_280, %mul3A_333 : i32
        %add3A_335 = arith.constant 128 : i32
        %add3A_336 = arith.addi %mul3A_334, %add3A_335 : i32
        %get3A_337 = arith.index_cast %add3A_336 : i32 to index
        %get3A_338 = tpu.vector_load %arg6[%get3A_337] {strides = array<i32>} : memref<4096xi32, #tpu.memory_space<vmem>>, vector<16xi32>,
        %add3A_339 = arith.addi %add3A_332, %get3A_338 : vector<16xi32>
        %mul3A_340 = arith.constant 256 : i32
        %mul3A_341 = arith.muli %sub3A_280, %mul3A_340 : i32
        %add3A_342 = arith.constant 144 : i32
        %add3A_343 = arith.addi %mul3A_341, %add3A_342 : i32
        %get3A_344 = arith.index_cast %add3A_343 : i32 to index
        %get3A_345 = tpu.vector_load %arg6[%get3A_344] {strides = array<i32>} : memref<4096xi32, #tpu.memory_space<vmem>>, vector<16xi32>,
        %add3A_346 = arith.addi %add3A_339, %get3A_345 : vector<16xi32>
        %mul3A_347 = arith.constant 256 : i32
        %mul3A_348 = arith.muli %sub3A_280, %mul3A_347 : i32
        %add3A_349 = arith.constant 160 : i32
        %add3A_350 = arith.addi %mul3A_348, %add3A_349 : i32
        %get3A_351 = arith.index_cast %add3A_350 : i32 to index
        %get3A_352 = tpu.vector_load %arg6[%get3A_351] {strides = array<i32>} : memref<4096xi32, #tpu.memory_space<vmem>>, vector<16xi32>,
        %add3A_353 = arith.addi %add3A_346, %get3A_352 : vector<16xi32>
        %mul3A_354 = arith.constant 256 : i32
        %mul3A_355 = arith.muli %sub3A_280, %mul3A_354 : i32
        %add3A_356 = arith.constant 176 : i32
        %add3A_357 = arith.addi %mul3A_355, %add3A_356 : i32
        %get3A_358 = arith.index_cast %add3A_357 : i32 to index
        %get3A_359 = tpu.vector_load %arg6[%get3A_358] {strides = array<i32>} : memref<4096xi32, #tpu.memory_space<vmem>>, vector<16xi32>,
        %add3A_360 = arith.addi %add3A_353, %get3A_359 : vector<16xi32>
        %mul3A_361 = arith.constant 256 : i32
        %mul3A_362 = arith.muli %sub3A_280, %mul3A_361 : i32
        %add3A_363 = arith.constant 192 : i32
        %add3A_364 = arith.addi %mul3A_362, %add3A_363 : i32
        %get3A_365 = arith.index_cast %add3A_364 : i32 to index
        %get3A_366 = tpu.vector_load %arg6[%get3A_365] {strides = array<i32>} : memref<4096xi32, #tpu.memory_space<vmem>>, vector<16xi32>,
        %add3A_367 = arith.addi %add3A_360, %get3A_366 : vector<16xi32>
        %mul3A_368 = arith.constant 256 : i32
        %mul3A_369 = arith.muli %sub3A_280, %mul3A_368 : i32
        %add3A_370 = arith.constant 208 : i32
        %add3A_371 = arith.addi %mul3A_369, %add3A_370 : i32
        %get3A_372 = arith.index_cast %add3A_371 : i32 to index
        %get3A_373 = tpu.vector_load %arg6[%get3A_372] {strides = array<i32>} : memref<4096xi32, #tpu.memory_space<vmem>>, vector<16xi32>,
        %add3A_374 = arith.addi %add3A_367, %get3A_373 : vector<16xi32>
        %mul3A_375 = arith.constant 256 : i32
        %mul3A_376 = arith.muli %sub3A_280, %mul3A_375 : i32
        %add3A_377 = arith.constant 224 : i32
        %add3A_378 = arith.addi %mul3A_376, %add3A_377 : i32
        %get3A_379 = arith.index_cast %add3A_378 : i32 to index
        %get3A_380 = tpu.vector_load %arg6[%get3A_379] {strides = array<i32>} : memref<4096xi32, #tpu.memory_space<vmem>>, vector<16xi32>,
        %add3A_381 = arith.addi %add3A_374, %get3A_380 : vector<16xi32>
        %mul3A_382 = arith.constant 256 : i32
        %mul3A_383 = arith.muli %sub3A_280, %mul3A_382 : i32
        %add3A_384 = arith.constant 240 : i32
        %add3A_385 = arith.addi %mul3A_383, %add3A_384 : i32
        %get3A_386 = arith.index_cast %add3A_385 : i32 to index
        %get3A_387 = tpu.vector_load %arg6[%get3A_386] {strides = array<i32>} : memref<4096xi32, #tpu.memory_space<vmem>>, vector<16xi32>,
        %add3A_388 = arith.addi %add3A_381, %get3A_387 : vector<16xi32>
        %reduce_sum3A = arith.constant true
        %reduce_sum3A_389 = vector.broadcast %reduce_sum3A : i1 to vector<16xi1>
        %reduce_sum3A_390 = tpu.scan <sum>, %add3A_388 masked %reduce_sum3A_389 : vector<16xi32>, vector<16xi1> -> vector<16xi32>
        %reduce_sum3A_391 = vector.extract %reduce_sum3A_390[15] : i32 from vector<16xi32>
        %add3A_392 = arith.addi %scan3A_275, %reduce_sum3A_391 : i32
        %not3A = arith.constant true
        %not3A_393 = arith.xori %scan3A_278, %not3A : i1
        %ge3A = arith.cmpi sge, %add3A_392, %sub3A_48 : i32
        %and3A = arith.andi %not3A_393, %ge3A : i1
        %select_n3A = arith.select %and3A, %sub3A_280, %scan3A_276 : i32
        %select_n3A_394 = arith.select %and3A, %scan3A_275, %scan3A_277 : i32
        %or3A = arith.ori %scan3A_278, %and3A : i1
        scf.yield %add3A_392, %select_n3A, %select_n3A_394, %or3A : i32, i32, i32, i1
      }
      %scan3A_58 = arith.constant 16 : i32
      %scan3A_59 = arith.constant 0 : i32
      %scan3A_60 = arith.constant false
      %scan3A_61 = arith.constant 0 : i32
      %scan3A_62 = arith.constant 16 : i32
      %scan3A_63 = arith.addi %scan3A_61, %scan3A_62 : i32
      %scan3A_64 = arith.constant 1 : i32
      %scan3A_65:4 = scf.for %scan3A_274 = %scan3A_61 to %scan3A_63 step %scan3A_64 iter_args(%scan3A_275 = %scan3A_57#2, %scan3A_276 = %scan3A_59, %scan3A_277 = %scan3A_57#2, %scan3A_278 = %scan3A_60) -> (i32, i32, i32, i1)  : i32 {
        %mul3A_279 = arith.constant 16 : i32
        %mul3A_280 = arith.muli %scan3A_57#1, %mul3A_279 : i32
        %add3A_281 = arith.constant 15 : i32
        %add3A_282 = arith.addi %mul3A_280, %add3A_281 : i32
        %sub3A_283 = arith.subi %add3A_282, %scan3A_274 : i32
        %mul3A_284 = arith.constant 16 : i32
        %mul3A_285 = arith.muli %sub3A_283, %mul3A_284 : i32
        %get3A = arith.index_cast %mul3A_285 : i32 to index
        %get3A_286 = tpu.vector_load %arg6[%get3A] {strides = array<i32>} : memref<4096xi32, #tpu.memory_space<vmem>>, vector<16xi32>,
        %reduce_sum3A = arith.constant true
        %reduce_sum3A_287 = vector.broadcast %reduce_sum3A : i1 to vector<16xi1>
        %reduce_sum3A_288 = tpu.scan <sum>, %get3A_286 masked %reduce_sum3A_287 : vector<16xi32>, vector<16xi1> -> vector<16xi32>
        %reduce_sum3A_289 = vector.extract %reduce_sum3A_288[15] : i32 from vector<16xi32>
        %add3A_290 = arith.addi %scan3A_275, %reduce_sum3A_289 : i32
        %not3A = arith.constant true
        %not3A_291 = arith.xori %scan3A_278, %not3A : i1
        %ge3A = arith.cmpi sge, %add3A_290, %sub3A_48 : i32
        %and3A = arith.andi %not3A_291, %ge3A : i1
        %select_n3A = arith.select %and3A, %sub3A_283, %scan3A_276 : i32
        %select_n3A_292 = arith.select %and3A, %scan3A_275, %scan3A_277 : i32
        %or3A = arith.ori %scan3A_278, %and3A : i1
        scf.yield %add3A_290, %select_n3A, %select_n3A_292, %or3A : i32, i32, i32, i1
      }
      %scan3A_66 = arith.constant 16 : i32
      %mul3A_67 = arith.constant 256 : i32
      %mul3A_68 = arith.muli %scan3A_40#1, %mul3A_67 : i32
      %add3A_69 = arith.addi %mul3A_68, %scan3A_65#1 : i32
      %broadcast_in_dim3A_70 = arith.constant 0xFF800000 : f32
      %broadcast_in_dim3A_71 = vector.broadcast %broadcast_in_dim3A_70 : f32 to vector<16xf32>
      %swap3A = arith.constant 0 : index
      %swap3A_72 = tpu.vector_load %arg7[%swap3A] {strides = array<i32>} : memref<400xf32, #tpu.memory_space<vmem>>, vector<16xf32>,
      tpu.vector_store %arg7[%swap3A], %broadcast_in_dim3A_71 {strides = array<i32>} : memref<400xf32, #tpu.memory_space<vmem>>, vector<16xf32>,
      %broadcast_in_dim3A_73 = arith.constant 115712 : i32
      %broadcast_in_dim3A_74 = vector.broadcast %broadcast_in_dim3A_73 : i32 to vector<16xi32>
      %swap3A_75 = arith.constant 0 : index
      %swap3A_76 = tpu.vector_load %arg8[%swap3A_75] {strides = array<i32>} : memref<400xi32, #tpu.memory_space<vmem>>, vector<16xi32>,
      tpu.vector_store %arg8[%swap3A_75], %broadcast_in_dim3A_74 {strides = array<i32>} : memref<400xi32, #tpu.memory_space<vmem>>, vector<16xi32>,
      %broadcast_in_dim3A_77 = arith.constant 0xFF800000 : f32
      %broadcast_in_dim3A_78 = vector.broadcast %broadcast_in_dim3A_77 : f32 to vector<16xf32>
      %swap3A_79 = arith.constant 16 : index
      %swap3A_80 = tpu.vector_load %arg7[%swap3A_79] {strides = array<i32>} : memref<400xf32, #tpu.memory_space<vmem>>, vector<16xf32>,
      tpu.vector_store %arg7[%swap3A_79], %broadcast_in_dim3A_78 {strides = array<i32>} : memref<400xf32, #tpu.memory_space<vmem>>, vector<16xf32>,
      %broadcast_in_dim3A_81 = arith.constant 115712 : i32
      %broadcast_in_dim3A_82 = vector.broadcast %broadcast_in_dim3A_81 : i32 to vector<16xi32>
      %swap3A_83 = arith.constant 16 : index
      %swap3A_84 = tpu.vector_load %arg8[%swap3A_83] {strides = array<i32>} : memref<400xi32, #tpu.memory_space<vmem>>, vector<16xi32>,
      tpu.vector_store %arg8[%swap3A_83], %broadcast_in_dim3A_82 {strides = array<i32>} : memref<400xi32, #tpu.memory_space<vmem>>, vector<16xi32>,
      %broadcast_in_dim3A_85 = arith.constant 0xFF800000 : f32
      %broadcast_in_dim3A_86 = vector.broadcast %broadcast_in_dim3A_85 : f32 to vector<16xf32>
      %swap3A_87 = arith.constant 32 : index
      %swap3A_88 = tpu.vector_load %arg7[%swap3A_87] {strides = array<i32>} : memref<400xf32, #tpu.memory_space<vmem>>, vector<16xf32>,
      tpu.vector_store %arg7[%swap3A_87], %broadcast_in_dim3A_86 {strides = array<i32>} : memref<400xf32, #tpu.memory_space<vmem>>, vector<16xf32>,
      %broadcast_in_dim3A_89 = arith.constant 115712 : i32
      %broadcast_in_dim3A_90 = vector.broadcast %broadcast_in_dim3A_89 : i32 to vector<16xi32>
      %swap3A_91 = arith.constant 32 : index
      %swap3A_92 = tpu.vector_load %arg8[%swap3A_91] {strides = array<i32>} : memref<400xi32, #tpu.memory_space<vmem>>, vector<16xi32>,
      tpu.vector_store %arg8[%swap3A_91], %broadcast_in_dim3A_90 {strides = array<i32>} : memref<400xi32, #tpu.memory_space<vmem>>, vector<16xi32>,
      %broadcast_in_dim3A_93 = arith.constant 0xFF800000 : f32
      %broadcast_in_dim3A_94 = vector.broadcast %broadcast_in_dim3A_93 : f32 to vector<16xf32>
      %swap3A_95 = arith.constant 48 : index
      %swap3A_96 = tpu.vector_load %arg7[%swap3A_95] {strides = array<i32>} : memref<400xf32, #tpu.memory_space<vmem>>, vector<16xf32>,
      tpu.vector_store %arg7[%swap3A_95], %broadcast_in_dim3A_94 {strides = array<i32>} : memref<400xf32, #tpu.memory_space<vmem>>, vector<16xf32>,
      %broadcast_in_dim3A_97 = arith.constant 115712 : i32
      %broadcast_in_dim3A_98 = vector.broadcast %broadcast_in_dim3A_97 : i32 to vector<16xi32>
      %swap3A_99 = arith.constant 48 : index
      %swap3A_100 = tpu.vector_load %arg8[%swap3A_99] {strides = array<i32>} : memref<400xi32, #tpu.memory_space<vmem>>, vector<16xi32>,
      tpu.vector_store %arg8[%swap3A_99], %broadcast_in_dim3A_98 {strides = array<i32>} : memref<400xi32, #tpu.memory_space<vmem>>, vector<16xi32>,
      %broadcast_in_dim3A_101 = arith.constant 0xFF800000 : f32
      %broadcast_in_dim3A_102 = vector.broadcast %broadcast_in_dim3A_101 : f32 to vector<16xf32>
      %swap3A_103 = arith.constant 64 : index
      %swap3A_104 = tpu.vector_load %arg7[%swap3A_103] {strides = array<i32>} : memref<400xf32, #tpu.memory_space<vmem>>, vector<16xf32>,
      tpu.vector_store %arg7[%swap3A_103], %broadcast_in_dim3A_102 {strides = array<i32>} : memref<400xf32, #tpu.memory_space<vmem>>, vector<16xf32>,
      %broadcast_in_dim3A_105 = arith.constant 115712 : i32
      %broadcast_in_dim3A_106 = vector.broadcast %broadcast_in_dim3A_105 : i32 to vector<16xi32>
      %swap3A_107 = arith.constant 64 : index
      %swap3A_108 = tpu.vector_load %arg8[%swap3A_107] {strides = array<i32>} : memref<400xi32, #tpu.memory_space<vmem>>, vector<16xi32>,
      tpu.vector_store %arg8[%swap3A_107], %broadcast_in_dim3A_106 {strides = array<i32>} : memref<400xi32, #tpu.memory_space<vmem>>, vector<16xi32>,
      %broadcast_in_dim3A_109 = arith.constant 0xFF800000 : f32
      %broadcast_in_dim3A_110 = vector.broadcast %broadcast_in_dim3A_109 : f32 to vector<16xf32>
      %swap3A_111 = arith.constant 80 : index
      %swap3A_112 = tpu.vector_load %arg7[%swap3A_111] {strides = array<i32>} : memref<400xf32, #tpu.memory_space<vmem>>, vector<16xf32>,
      tpu.vector_store %arg7[%swap3A_111], %broadcast_in_dim3A_110 {strides = array<i32>} : memref<400xf32, #tpu.memory_space<vmem>>, vector<16xf32>,
      %broadcast_in_dim3A_113 = arith.constant 115712 : i32
      %broadcast_in_dim3A_114 = vector.broadcast %broadcast_in_dim3A_113 : i32 to vector<16xi32>
      %swap3A_115 = arith.constant 80 : index
      %swap3A_116 = tpu.vector_load %arg8[%swap3A_115] {strides = array<i32>} : memref<400xi32, #tpu.memory_space<vmem>>, vector<16xi32>,
      tpu.vector_store %arg8[%swap3A_115], %broadcast_in_dim3A_114 {strides = array<i32>} : memref<400xi32, #tpu.memory_space<vmem>>, vector<16xi32>,
      %broadcast_in_dim3A_117 = arith.constant 0xFF800000 : f32
      %broadcast_in_dim3A_118 = vector.broadcast %broadcast_in_dim3A_117 : f32 to vector<16xf32>
      %swap3A_119 = arith.constant 96 : index
      %swap3A_120 = tpu.vector_load %arg7[%swap3A_119] {strides = array<i32>} : memref<400xf32, #tpu.memory_space<vmem>>, vector<16xf32>,
      tpu.vector_store %arg7[%swap3A_119], %broadcast_in_dim3A_118 {strides = array<i32>} : memref<400xf32, #tpu.memory_space<vmem>>, vector<16xf32>,
      %broadcast_in_dim3A_121 = arith.constant 115712 : i32
      %broadcast_in_dim3A_122 = vector.broadcast %broadcast_in_dim3A_121 : i32 to vector<16xi32>
      %swap3A_123 = arith.constant 96 : index
      %swap3A_124 = tpu.vector_load %arg8[%swap3A_123] {strides = array<i32>} : memref<400xi32, #tpu.memory_space<vmem>>, vector<16xi32>,
      tpu.vector_store %arg8[%swap3A_123], %broadcast_in_dim3A_122 {strides = array<i32>} : memref<400xi32, #tpu.memory_space<vmem>>, vector<16xi32>,
      %broadcast_in_dim3A_125 = arith.constant 0xFF800000 : f32
      %broadcast_in_dim3A_126 = vector.broadcast %broadcast_in_dim3A_125 : f32 to vector<16xf32>
      %swap3A_127 = arith.constant 112 : index
      %swap3A_128 = tpu.vector_load %arg7[%swap3A_127] {strides = array<i32>} : memref<400xf32, #tpu.memory_space<vmem>>, vector<16xf32>,
      tpu.vector_store %arg7[%swap3A_127], %broadcast_in_dim3A_126 {strides = array<i32>} : memref<400xf32, #tpu.memory_space<vmem>>, vector<16xf32>,
      %broadcast_in_dim3A_129 = arith.constant 115712 : i32
      %broadcast_in_dim3A_130 = vector.broadcast %broadcast_in_dim3A_129 : i32 to vector<16xi32>
      %swap3A_131 = arith.constant 112 : index
      %swap3A_132 = tpu.vector_load %arg8[%swap3A_131] {strides = array<i32>} : memref<400xi32, #tpu.memory_space<vmem>>, vector<16xi32>,
      tpu.vector_store %arg8[%swap3A_131], %broadcast_in_dim3A_130 {strides = array<i32>} : memref<400xi32, #tpu.memory_space<vmem>>, vector<16xi32>,
      %broadcast_in_dim3A_133 = arith.constant 0xFF800000 : f32
      %broadcast_in_dim3A_134 = vector.broadcast %broadcast_in_dim3A_133 : f32 to vector<16xf32>
      %swap3A_135 = arith.constant 128 : index
      %swap3A_136 = tpu.vector_load %arg7[%swap3A_135] {strides = array<i32>} : memref<400xf32, #tpu.memory_space<vmem>>, vector<16xf32>,
      tpu.vector_store %arg7[%swap3A_135], %broadcast_in_dim3A_134 {strides = array<i32>} : memref<400xf32, #tpu.memory_space<vmem>>, vector<16xf32>,
      %broadcast_in_dim3A_137 = arith.constant 115712 : i32
      %broadcast_in_dim3A_138 = vector.broadcast %broadcast_in_dim3A_137 : i32 to vector<16xi32>
      %swap3A_139 = arith.constant 128 : index
      %swap3A_140 = tpu.vector_load %arg8[%swap3A_139] {strides = array<i32>} : memref<400xi32, #tpu.memory_space<vmem>>, vector<16xi32>,
      tpu.vector_store %arg8[%swap3A_139], %broadcast_in_dim3A_138 {strides = array<i32>} : memref<400xi32, #tpu.memory_space<vmem>>, vector<16xi32>,
      %broadcast_in_dim3A_141 = arith.constant 0xFF800000 : f32
      %broadcast_in_dim3A_142 = vector.broadcast %broadcast_in_dim3A_141 : f32 to vector<16xf32>
      %swap3A_143 = arith.constant 144 : index
      %swap3A_144 = tpu.vector_load %arg7[%swap3A_143] {strides = array<i32>} : memref<400xf32, #tpu.memory_space<vmem>>, vector<16xf32>,
      tpu.vector_store %arg7[%swap3A_143], %broadcast_in_dim3A_142 {strides = array<i32>} : memref<400xf32, #tpu.memory_space<vmem>>, vector<16xf32>,
      %broadcast_in_dim3A_145 = arith.constant 115712 : i32
      %broadcast_in_dim3A_146 = vector.broadcast %broadcast_in_dim3A_145 : i32 to vector<16xi32>
      %swap3A_147 = arith.constant 144 : index
      %swap3A_148 = tpu.vector_load %arg8[%swap3A_147] {strides = array<i32>} : memref<400xi32, #tpu.memory_space<vmem>>, vector<16xi32>,
      tpu.vector_store %arg8[%swap3A_147], %broadcast_in_dim3A_146 {strides = array<i32>} : memref<400xi32, #tpu.memory_space<vmem>>, vector<16xi32>,
      %broadcast_in_dim3A_149 = arith.constant 0xFF800000 : f32
      %broadcast_in_dim3A_150 = vector.broadcast %broadcast_in_dim3A_149 : f32 to vector<16xf32>
      %swap3A_151 = arith.constant 160 : index
      %swap3A_152 = tpu.vector_load %arg7[%swap3A_151] {strides = array<i32>} : memref<400xf32, #tpu.memory_space<vmem>>, vector<16xf32>,
      tpu.vector_store %arg7[%swap3A_151], %broadcast_in_dim3A_150 {strides = array<i32>} : memref<400xf32, #tpu.memory_space<vmem>>, vector<16xf32>,
      %broadcast_in_dim3A_153 = arith.constant 115712 : i32
      %broadcast_in_dim3A_154 = vector.broadcast %broadcast_in_dim3A_153 : i32 to vector<16xi32>
      %swap3A_155 = arith.constant 160 : index
      %swap3A_156 = tpu.vector_load %arg8[%swap3A_155] {strides = array<i32>} : memref<400xi32, #tpu.memory_space<vmem>>, vector<16xi32>,
      tpu.vector_store %arg8[%swap3A_155], %broadcast_in_dim3A_154 {strides = array<i32>} : memref<400xi32, #tpu.memory_space<vmem>>, vector<16xi32>,
      %broadcast_in_dim3A_157 = arith.constant 0xFF800000 : f32
      %broadcast_in_dim3A_158 = vector.broadcast %broadcast_in_dim3A_157 : f32 to vector<16xf32>
      %swap3A_159 = arith.constant 176 : index
      %swap3A_160 = tpu.vector_load %arg7[%swap3A_159] {strides = array<i32>} : memref<400xf32, #tpu.memory_space<vmem>>, vector<16xf32>,
      tpu.vector_store %arg7[%swap3A_159], %broadcast_in_dim3A_158 {strides = array<i32>} : memref<400xf32, #tpu.memory_space<vmem>>, vector<16xf32>,
      %broadcast_in_dim3A_161 = arith.constant 115712 : i32
      %broadcast_in_dim3A_162 = vector.broadcast %broadcast_in_dim3A_161 : i32 to vector<16xi32>
      %swap3A_163 = arith.constant 176 : index
      %swap3A_164 = tpu.vector_load %arg8[%swap3A_163] {strides = array<i32>} : memref<400xi32, #tpu.memory_space<vmem>>, vector<16xi32>,
      tpu.vector_store %arg8[%swap3A_163], %broadcast_in_dim3A_162 {strides = array<i32>} : memref<400xi32, #tpu.memory_space<vmem>>, vector<16xi32>,
      %broadcast_in_dim3A_165 = arith.constant 0xFF800000 : f32
      %broadcast_in_dim3A_166 = vector.broadcast %broadcast_in_dim3A_165 : f32 to vector<16xf32>
      %swap3A_167 = arith.constant 192 : index
      %swap3A_168 = tpu.vector_load %arg7[%swap3A_167] {strides = array<i32>} : memref<400xf32, #tpu.memory_space<vmem>>, vector<16xf32>,
      tpu.vector_store %arg7[%swap3A_167], %broadcast_in_dim3A_166 {strides = array<i32>} : memref<400xf32, #tpu.memory_space<vmem>>, vector<16xf32>,
      %broadcast_in_dim3A_169 = arith.constant 115712 : i32
      %broadcast_in_dim3A_170 = vector.broadcast %broadcast_in_dim3A_169 : i32 to vector<16xi32>
      %swap3A_171 = arith.constant 192 : index
      %swap3A_172 = tpu.vector_load %arg8[%swap3A_171] {strides = array<i32>} : memref<400xi32, #tpu.memory_space<vmem>>, vector<16xi32>,
      tpu.vector_store %arg8[%swap3A_171], %broadcast_in_dim3A_170 {strides = array<i32>} : memref<400xi32, #tpu.memory_space<vmem>>, vector<16xi32>,
      %broadcast_in_dim3A_173 = arith.constant 0xFF800000 : f32
      %broadcast_in_dim3A_174 = vector.broadcast %broadcast_in_dim3A_173 : f32 to vector<16xf32>
      %swap3A_175 = arith.constant 208 : index
      %swap3A_176 = tpu.vector_load %arg7[%swap3A_175] {strides = array<i32>} : memref<400xf32, #tpu.memory_space<vmem>>, vector<16xf32>,
      tpu.vector_store %arg7[%swap3A_175], %broadcast_in_dim3A_174 {strides = array<i32>} : memref<400xf32, #tpu.memory_space<vmem>>, vector<16xf32>,
      %broadcast_in_dim3A_177 = arith.constant 115712 : i32
      %broadcast_in_dim3A_178 = vector.broadcast %broadcast_in_dim3A_177 : i32 to vector<16xi32>
      %swap3A_179 = arith.constant 208 : index
      %swap3A_180 = tpu.vector_load %arg8[%swap3A_179] {strides = array<i32>} : memref<400xi32, #tpu.memory_space<vmem>>, vector<16xi32>,
      tpu.vector_store %arg8[%swap3A_179], %broadcast_in_dim3A_178 {strides = array<i32>} : memref<400xi32, #tpu.memory_space<vmem>>, vector<16xi32>,
      %broadcast_in_dim3A_181 = arith.constant 0xFF800000 : f32
      %broadcast_in_dim3A_182 = vector.broadcast %broadcast_in_dim3A_181 : f32 to vector<16xf32>
      %swap3A_183 = arith.constant 224 : index
      %swap3A_184 = tpu.vector_load %arg7[%swap3A_183] {strides = array<i32>} : memref<400xf32, #tpu.memory_space<vmem>>, vector<16xf32>,
      tpu.vector_store %arg7[%swap3A_183], %broadcast_in_dim3A_182 {strides = array<i32>} : memref<400xf32, #tpu.memory_space<vmem>>, vector<16xf32>,
      %broadcast_in_dim3A_185 = arith.constant 115712 : i32
      %broadcast_in_dim3A_186 = vector.broadcast %broadcast_in_dim3A_185 : i32 to vector<16xi32>
      %swap3A_187 = arith.constant 224 : index
      %swap3A_188 = tpu.vector_load %arg8[%swap3A_187] {strides = array<i32>} : memref<400xi32, #tpu.memory_space<vmem>>, vector<16xi32>,
      tpu.vector_store %arg8[%swap3A_187], %broadcast_in_dim3A_186 {strides = array<i32>} : memref<400xi32, #tpu.memory_space<vmem>>, vector<16xi32>,
      %broadcast_in_dim3A_189 = arith.constant 0xFF800000 : f32
      %broadcast_in_dim3A_190 = vector.broadcast %broadcast_in_dim3A_189 : f32 to vector<16xf32>
      %swap3A_191 = arith.constant 240 : index
      %swap3A_192 = tpu.vector_load %arg7[%swap3A_191] {strides = array<i32>} : memref<400xf32, #tpu.memory_space<vmem>>, vector<16xf32>,
      tpu.vector_store %arg7[%swap3A_191], %broadcast_in_dim3A_190 {strides = array<i32>} : memref<400xf32, #tpu.memory_space<vmem>>, vector<16xf32>,
      %broadcast_in_dim3A_193 = arith.constant 115712 : i32
      %broadcast_in_dim3A_194 = vector.broadcast %broadcast_in_dim3A_193 : i32 to vector<16xi32>
      %swap3A_195 = arith.constant 240 : index
      %swap3A_196 = tpu.vector_load %arg8[%swap3A_195] {strides = array<i32>} : memref<400xi32, #tpu.memory_space<vmem>>, vector<16xi32>,
      tpu.vector_store %arg8[%swap3A_195], %broadcast_in_dim3A_194 {strides = array<i32>} : memref<400xi32, #tpu.memory_space<vmem>>, vector<16xi32>,
      %broadcast_in_dim3A_197 = arith.constant 0xFF800000 : f32
      %broadcast_in_dim3A_198 = vector.broadcast %broadcast_in_dim3A_197 : f32 to vector<16xf32>
      %swap3A_199 = arith.constant 256 : index
      %swap3A_200 = tpu.vector_load %arg7[%swap3A_199] {strides = array<i32>} : memref<400xf32, #tpu.memory_space<vmem>>, vector<16xf32>,
      tpu.vector_store %arg7[%swap3A_199], %broadcast_in_dim3A_198 {strides = array<i32>} : memref<400xf32, #tpu.memory_space<vmem>>, vector<16xf32>,
      %broadcast_in_dim3A_201 = arith.constant 115712 : i32
      %broadcast_in_dim3A_202 = vector.broadcast %broadcast_in_dim3A_201 : i32 to vector<16xi32>
      %swap3A_203 = arith.constant 256 : index
      %swap3A_204 = tpu.vector_load %arg8[%swap3A_203] {strides = array<i32>} : memref<400xi32, #tpu.memory_space<vmem>>, vector<16xi32>,
      tpu.vector_store %arg8[%swap3A_203], %broadcast_in_dim3A_202 {strides = array<i32>} : memref<400xi32, #tpu.memory_space<vmem>>, vector<16xi32>,
      %broadcast_in_dim3A_205 = arith.constant 0xFF800000 : f32
      %broadcast_in_dim3A_206 = vector.broadcast %broadcast_in_dim3A_205 : f32 to vector<16xf32>
      %swap3A_207 = arith.constant 272 : index
      %swap3A_208 = tpu.vector_load %arg7[%swap3A_207] {strides = array<i32>} : memref<400xf32, #tpu.memory_space<vmem>>, vector<16xf32>,
      tpu.vector_store %arg7[%swap3A_207], %broadcast_in_dim3A_206 {strides = array<i32>} : memref<400xf32, #tpu.memory_space<vmem>>, vector<16xf32>,
      %broadcast_in_dim3A_209 = arith.constant 115712 : i32
      %broadcast_in_dim3A_210 = vector.broadcast %broadcast_in_dim3A_209 : i32 to vector<16xi32>
      %swap3A_211 = arith.constant 272 : index
      %swap3A_212 = tpu.vector_load %arg8[%swap3A_211] {strides = array<i32>} : memref<400xi32, #tpu.memory_space<vmem>>, vector<16xi32>,
      tpu.vector_store %arg8[%swap3A_211], %broadcast_in_dim3A_210 {strides = array<i32>} : memref<400xi32, #tpu.memory_space<vmem>>, vector<16xi32>,
      %broadcast_in_dim3A_213 = arith.constant 0xFF800000 : f32
      %broadcast_in_dim3A_214 = vector.broadcast %broadcast_in_dim3A_213 : f32 to vector<16xf32>
      %swap3A_215 = arith.constant 288 : index
      %swap3A_216 = tpu.vector_load %arg7[%swap3A_215] {strides = array<i32>} : memref<400xf32, #tpu.memory_space<vmem>>, vector<16xf32>,
      tpu.vector_store %arg7[%swap3A_215], %broadcast_in_dim3A_214 {strides = array<i32>} : memref<400xf32, #tpu.memory_space<vmem>>, vector<16xf32>,
      %broadcast_in_dim3A_217 = arith.constant 115712 : i32
      %broadcast_in_dim3A_218 = vector.broadcast %broadcast_in_dim3A_217 : i32 to vector<16xi32>
      %swap3A_219 = arith.constant 288 : index
      %swap3A_220 = tpu.vector_load %arg8[%swap3A_219] {strides = array<i32>} : memref<400xi32, #tpu.memory_space<vmem>>, vector<16xi32>,
      tpu.vector_store %arg8[%swap3A_219], %broadcast_in_dim3A_218 {strides = array<i32>} : memref<400xi32, #tpu.memory_space<vmem>>, vector<16xi32>,
      %broadcast_in_dim3A_221 = arith.constant 0xFF800000 : f32
      %broadcast_in_dim3A_222 = vector.broadcast %broadcast_in_dim3A_221 : f32 to vector<16xf32>
      %swap3A_223 = arith.constant 304 : index
      %swap3A_224 = tpu.vector_load %arg7[%swap3A_223] {strides = array<i32>} : memref<400xf32, #tpu.memory_space<vmem>>, vector<16xf32>,
      tpu.vector_store %arg7[%swap3A_223], %broadcast_in_dim3A_222 {strides = array<i32>} : memref<400xf32, #tpu.memory_space<vmem>>, vector<16xf32>,
      %broadcast_in_dim3A_225 = arith.constant 115712 : i32
      %broadcast_in_dim3A_226 = vector.broadcast %broadcast_in_dim3A_225 : i32 to vector<16xi32>
      %swap3A_227 = arith.constant 304 : index
      %swap3A_228 = tpu.vector_load %arg8[%swap3A_227] {strides = array<i32>} : memref<400xi32, #tpu.memory_space<vmem>>, vector<16xi32>,
      tpu.vector_store %arg8[%swap3A_227], %broadcast_in_dim3A_226 {strides = array<i32>} : memref<400xi32, #tpu.memory_space<vmem>>, vector<16xi32>,
      %broadcast_in_dim3A_229 = arith.constant 0xFF800000 : f32
      %broadcast_in_dim3A_230 = vector.broadcast %broadcast_in_dim3A_229 : f32 to vector<16xf32>
      %swap3A_231 = arith.constant 320 : index
      %swap3A_232 = tpu.vector_load %arg7[%swap3A_231] {strides = array<i32>} : memref<400xf32, #tpu.memory_space<vmem>>, vector<16xf32>,
      tpu.vector_store %arg7[%swap3A_231], %broadcast_in_dim3A_230 {strides = array<i32>} : memref<400xf32, #tpu.memory_space<vmem>>, vector<16xf32>,
      %broadcast_in_dim3A_233 = arith.constant 115712 : i32
      %broadcast_in_dim3A_234 = vector.broadcast %broadcast_in_dim3A_233 : i32 to vector<16xi32>
      %swap3A_235 = arith.constant 320 : index
      %swap3A_236 = tpu.vector_load %arg8[%swap3A_235] {strides = array<i32>} : memref<400xi32, #tpu.memory_space<vmem>>, vector<16xi32>,
      tpu.vector_store %arg8[%swap3A_235], %broadcast_in_dim3A_234 {strides = array<i32>} : memref<400xi32, #tpu.memory_space<vmem>>, vector<16xi32>,
      %broadcast_in_dim3A_237 = arith.constant 0xFF800000 : f32
      %broadcast_in_dim3A_238 = vector.broadcast %broadcast_in_dim3A_237 : f32 to vector<16xf32>
      %swap3A_239 = arith.constant 336 : index
      %swap3A_240 = tpu.vector_load %arg7[%swap3A_239] {strides = array<i32>} : memref<400xf32, #tpu.memory_space<vmem>>, vector<16xf32>,
      tpu.vector_store %arg7[%swap3A_239], %broadcast_in_dim3A_238 {strides = array<i32>} : memref<400xf32, #tpu.memory_space<vmem>>, vector<16xf32>,
      %broadcast_in_dim3A_241 = arith.constant 115712 : i32
      %broadcast_in_dim3A_242 = vector.broadcast %broadcast_in_dim3A_241 : i32 to vector<16xi32>
      %swap3A_243 = arith.constant 336 : index
      %swap3A_244 = tpu.vector_load %arg8[%swap3A_243] {strides = array<i32>} : memref<400xi32, #tpu.memory_space<vmem>>, vector<16xi32>,
      tpu.vector_store %arg8[%swap3A_243], %broadcast_in_dim3A_242 {strides = array<i32>} : memref<400xi32, #tpu.memory_space<vmem>>, vector<16xi32>,
      %broadcast_in_dim3A_245 = arith.constant 0xFF800000 : f32
      %broadcast_in_dim3A_246 = vector.broadcast %broadcast_in_dim3A_245 : f32 to vector<16xf32>
      %swap3A_247 = arith.constant 352 : index
      %swap3A_248 = tpu.vector_load %arg7[%swap3A_247] {strides = array<i32>} : memref<400xf32, #tpu.memory_space<vmem>>, vector<16xf32>,
      tpu.vector_store %arg7[%swap3A_247], %broadcast_in_dim3A_246 {strides = array<i32>} : memref<400xf32, #tpu.memory_space<vmem>>, vector<16xf32>,
      %broadcast_in_dim3A_249 = arith.constant 115712 : i32
      %broadcast_in_dim3A_250 = vector.broadcast %broadcast_in_dim3A_249 : i32 to vector<16xi32>
      %swap3A_251 = arith.constant 352 : index
      %swap3A_252 = tpu.vector_load %arg8[%swap3A_251] {strides = array<i32>} : memref<400xi32, #tpu.memory_space<vmem>>, vector<16xi32>,
      tpu.vector_store %arg8[%swap3A_251], %broadcast_in_dim3A_250 {strides = array<i32>} : memref<400xi32, #tpu.memory_space<vmem>>, vector<16xi32>,
      %broadcast_in_dim3A_253 = arith.constant 0xFF800000 : f32
      %broadcast_in_dim3A_254 = vector.broadcast %broadcast_in_dim3A_253 : f32 to vector<16xf32>
      %swap3A_255 = arith.constant 368 : index
      %swap3A_256 = tpu.vector_load %arg7[%swap3A_255] {strides = array<i32>} : memref<400xf32, #tpu.memory_space<vmem>>, vector<16xf32>,
      tpu.vector_store %arg7[%swap3A_255], %broadcast_in_dim3A_254 {strides = array<i32>} : memref<400xf32, #tpu.memory_space<vmem>>, vector<16xf32>,
      %broadcast_in_dim3A_257 = arith.constant 115712 : i32
      %broadcast_in_dim3A_258 = vector.broadcast %broadcast_in_dim3A_257 : i32 to vector<16xi32>
      %swap3A_259 = arith.constant 368 : index
      %swap3A_260 = tpu.vector_load %arg8[%swap3A_259] {strides = array<i32>} : memref<400xi32, #tpu.memory_space<vmem>>, vector<16xi32>,
      tpu.vector_store %arg8[%swap3A_259], %broadcast_in_dim3A_258 {strides = array<i32>} : memref<400xi32, #tpu.memory_space<vmem>>, vector<16xi32>,
      %broadcast_in_dim3A_261 = arith.constant 0xFF800000 : f32
      %broadcast_in_dim3A_262 = vector.broadcast %broadcast_in_dim3A_261 : f32 to vector<16xf32>
      %swap3A_263 = arith.constant 384 : index
      %swap3A_264 = tpu.vector_load %arg7[%swap3A_263] {strides = array<i32>} : memref<400xf32, #tpu.memory_space<vmem>>, vector<16xf32>,
      tpu.vector_store %arg7[%swap3A_263], %broadcast_in_dim3A_262 {strides = array<i32>} : memref<400xf32, #tpu.memory_space<vmem>>, vector<16xf32>,
      %broadcast_in_dim3A_265 = arith.constant 115712 : i32
      %broadcast_in_dim3A_266 = vector.broadcast %broadcast_in_dim3A_265 : i32 to vector<16xi32>
      %swap3A_267 = arith.constant 384 : index
      %swap3A_268 = tpu.vector_load %arg8[%swap3A_267] {strides = array<i32>} : memref<400xi32, #tpu.memory_space<vmem>>, vector<16xi32>,
      tpu.vector_store %arg8[%swap3A_267], %broadcast_in_dim3A_266 {strides = array<i32>} : memref<400xi32, #tpu.memory_space<vmem>>, vector<16xi32>,
      %parallel_loop3A_269 = arith.constant 0 : i32
      %parallel_loop3A_270 = arith.constant 7232 : i32
      %parallel_loop3A_271 = arith.constant 1 : i32
      %parallel_loop3A_272 = scf.for %parallel_loop3A_274 = %parallel_loop3A_269 to %parallel_loop3A_270 step %parallel_loop3A_271 iter_args(%parallel_loop3A_275 = %broadcast_in_dim3A_3) -> (vector<16xi32>)  : i32 {
        %parallel_loop3A_276 = arith.constant 3 : i32
        %parallel_loop3A_277 = arith.shrsi %parallel_loop3A_274, %parallel_loop3A_276 : i32
        %parallel_loop3A_278 = arith.constant 7 : i32
        %parallel_loop3A_279 = arith.andi %parallel_loop3A_274, %parallel_loop3A_278 : i32
        %parallel_loop3A_280 = arith.constant 16 : i32
        %parallel_loop3A_281 = arith.muli %parallel_loop3A_279, %parallel_loop3A_280 : i32
        %parallel_loop3A_282 = arith.index_cast %parallel_loop3A_277 : i32 to index
        %parallel_loop3A_283 = arith.index_cast %parallel_loop3A_281 : i32 to index
        %parallel_loop3A_284 = tpu.vector_load %arg5[%parallel_loop3A_282, %parallel_loop3A_283] {strides = array<i32>} : memref<904x128xf32, #tpu.memory_space<vmem>>, vector<16xf32>,
        %parallel_loop3A_285 = tpu.bitcast %parallel_loop3A_284 : vector<16xf32> -> vector<16xi32>
        %parallel_loop3A_286 = arith.constant 31 : i32
        %parallel_loop3A_287 = vector.broadcast %parallel_loop3A_286 : i32 to vector<16xi32>
        %parallel_loop3A_288 = arith.shrui %parallel_loop3A_285, %parallel_loop3A_287 : vector<16xi32>
        %parallel_loop3A_289 = arith.constant 0 : i32
        %parallel_loop3A_290 = vector.broadcast %parallel_loop3A_289 : i32 to vector<16xi32>
        %parallel_loop3A_291 = arith.subi %parallel_loop3A_290, %parallel_loop3A_288 : vector<16xi32>
        %parallel_loop3A_292 = arith.constant -2147483648 : i32
        %parallel_loop3A_293 = vector.broadcast %parallel_loop3A_292 : i32 to vector<16xi32>
        %parallel_loop3A_294 = arith.ori %parallel_loop3A_293, %parallel_loop3A_291 : vector<16xi32>
        %parallel_loop3A_295 = arith.xori %parallel_loop3A_285, %parallel_loop3A_294 : vector<16xi32>
        %parallel_loop3A_296 = arith.constant 16 : i32
        %parallel_loop3A_297 = vector.broadcast %parallel_loop3A_296 : i32 to vector<16xi32>
        %parallel_loop3A_298 = arith.shrui %parallel_loop3A_295, %parallel_loop3A_297 : vector<16xi32>
        %parallel_loop3A_299 = vector.broadcast %add3A_69 : i32 to vector<16xi32>
        %parallel_loop3A_300 = arith.cmpi uge, %parallel_loop3A_298, %parallel_loop3A_299 : vector<16xi32>
        %parallel_loop3A_301 = arith.extui %parallel_loop3A_300 : vector<16xi1> to vector<16xi32>
        %parallel_loop3A_302 = arith.constant true
        %parallel_loop3A_303 = vector.broadcast %parallel_loop3A_302 : i1 to vector<16xi1>
        %parallel_loop3A_304 = tpu.scan <sum>, %parallel_loop3A_301 masked %parallel_loop3A_303 : vector<16xi32>, vector<16xi1> -> vector<16xi32>
        %parallel_loop3A_305 = arith.addi %parallel_loop3A_275, %parallel_loop3A_304 : vector<16xi32>
        %parallel_loop3A_306 = arith.constant 1 : i32
        %parallel_loop3A_307 = vector.broadcast %parallel_loop3A_306 : i32 to vector<16xi32>
        %parallel_loop3A_308 = arith.subi %parallel_loop3A_305, %parallel_loop3A_307 : vector<16xi32>
        %parallel_loop3A_309 = arith.constant 399 : i32
        %parallel_loop3A_310 = vector.broadcast %parallel_loop3A_309 : i32 to vector<16xi32>
        %parallel_loop3A_311 = arith.minsi %parallel_loop3A_308, %parallel_loop3A_310 : vector<16xi32>
        %parallel_loop3A_312 = arith.constant 16 : i32
        %parallel_loop3A_313 = arith.muli %parallel_loop3A_274, %parallel_loop3A_312 : i32
        %parallel_loop3A_314 = vector.broadcast %parallel_loop3A_313 : i32 to vector<16xi32>
        %parallel_loop3A_315 = arith.addi %parallel_loop3A_314, %iota3A : vector<16xi32>
        tpu.vector_store_idx %arg8[%parallel_loop3A_311], %parallel_loop3A_315 masked %parallel_loop3A_300 : memref<400xi32, #tpu.memory_space<vmem>>[vector<16xi32>], vector<16xi32>, vector<16xi1>
        tpu.vector_store_idx %arg7[%parallel_loop3A_311], %parallel_loop3A_284 masked %parallel_loop3A_300 : memref<400xf32, #tpu.memory_space<vmem>>[vector<16xi32>], vector<16xf32>, vector<16xi1>
        %parallel_loop3A_316 = tpu.all_reduce %parallel_loop3A_300 {dim = 0 : i64, kind = #tpu.reduction_kind<sum>} : vector<16xi1> -> vector<16xi32>
        %parallel_loop3A_317 = arith.addi %parallel_loop3A_275, %parallel_loop3A_316 : vector<16xi32>
        scf.yield %parallel_loop3A_317 : vector<16xi32>
      } {sc.loop_unroll_factor = 4 : i64, sc.parallel_access}
      "tpu.region"() ({
        %run_scoped3A = tpu.sem_alloc : memref<!tpu.dma_semaphore, #tpu.memory_space<semaphore_mem>>
        %dma_start3A = arith.constant 0 : i32
        %dma_start3A_274 = tpu.memref_slice %arg7[%dma_start3A] : memref<400xf32, #tpu.memory_space<vmem>> -> memref<384xf32, #tpu.memory_space<vmem>>
        %dma_start3A_275 = arith.constant 0 : i32
        %dma_start3A_276 = tpu.memref_slice %arg3[%add3A_14, %dma_start3A_275] : memref<64x384xf32, #tpu.memory_space<hbm>> -> memref<1x384xf32, #tpu.memory_space<hbm>>
        %dma_start3A_277 = tpu.memref_squeeze %dma_start3A_276 : memref<1x384xf32, #tpu.memory_space<hbm>> -> memref<384xf32, #tpu.memory_space<hbm>>
        %dma_start3A_278 = arith.constant 0 : i32
        %dma_start3A_279 = tpu.memref_slice %arg3[%add3A_14, %dma_start3A_278] : memref<64x384xf32, #tpu.memory_space<hbm>> -> memref<1x384xf32, #tpu.memory_space<hbm>>
        %dma_start3A_280 = tpu.memref_squeeze %dma_start3A_279 : memref<1x384xf32, #tpu.memory_space<hbm>> -> memref<384xf32, #tpu.memory_space<hbm>>
        %dma_start3A_281 = arith.constant 0 : i32
        %dma_start3A_282 = tpu.memref_slice %arg7[%dma_start3A_281] : memref<400xf32, #tpu.memory_space<vmem>> -> memref<384xf32, #tpu.memory_space<vmem>>
        tpu.enqueue_dma source(%dma_start3A_282 : memref<384xf32, #tpu.memory_space<vmem>>) target(%dma_start3A_280 : memref<384xf32, #tpu.memory_space<hbm>>) target_semaphore(%run_scoped3A : memref<!tpu.dma_semaphore, #tpu.memory_space<semaphore_mem>>)
        %dma_wait3A = arith.constant 0 : i32
        %dma_wait3A_283 = tpu.memref_slice %arg7[%dma_wait3A] : memref<400xf32, #tpu.memory_space<vmem>> -> memref<384xf32, #tpu.memory_space<vmem>>
        %dma_wait3A_284 = arith.constant 0 : i32
        %dma_wait3A_285 = tpu.memref_slice %arg3[%add3A_14, %dma_wait3A_284] : memref<64x384xf32, #tpu.memory_space<hbm>> -> memref<1x384xf32, #tpu.memory_space<hbm>>
        %dma_wait3A_286 = tpu.memref_squeeze %dma_wait3A_285 : memref<1x384xf32, #tpu.memory_space<hbm>> -> memref<384xf32, #tpu.memory_space<hbm>>
        %dma_wait3A_287 = arith.constant 0 : i32
        %dma_wait3A_288 = tpu.memref_slice %arg3[%add3A_14, %dma_wait3A_287] : memref<64x384xf32, #tpu.memory_space<hbm>> -> memref<1x384xf32, #tpu.memory_space<hbm>>
        %dma_wait3A_289 = tpu.memref_squeeze %dma_wait3A_288 : memref<1x384xf32, #tpu.memory_space<hbm>> -> memref<384xf32, #tpu.memory_space<hbm>>
        %dma_wait3A_290 = arith.constant 0 : i32
        %dma_wait3A_291 = tpu.memref_slice %arg7[%dma_wait3A_290] : memref<400xf32, #tpu.memory_space<vmem>> -> memref<384xf32, #tpu.memory_space<vmem>>
        tpu.wait_dma2 semaphore(%run_scoped3A : memref<!tpu.dma_semaphore, #tpu.memory_space<semaphore_mem>>) src(%dma_wait3A_291 : memref<384xf32, #tpu.memory_space<vmem>>) dst(%dma_wait3A_289 : memref<384xf32, #tpu.memory_space<hbm>>)
        tpu.yield
      }) : () -> ()
      "tpu.region"() ({
        %run_scoped3A = tpu.sem_alloc : memref<!tpu.dma_semaphore, #tpu.memory_space<semaphore_mem>>
        %dma_start3A = arith.constant 0 : i32
        %dma_start3A_274 = tpu.memref_slice %arg8[%dma_start3A] : memref<400xi32, #tpu.memory_space<vmem>> -> memref<384xi32, #tpu.memory_space<vmem>>
        %dma_start3A_275 = arith.constant 0 : i32
        %dma_start3A_276 = tpu.memref_slice %arg4[%add3A_14, %dma_start3A_275] : memref<64x384xi32, #tpu.memory_space<hbm>> -> memref<1x384xi32, #tpu.memory_space<hbm>>
        %dma_start3A_277 = tpu.memref_squeeze %dma_start3A_276 : memref<1x384xi32, #tpu.memory_space<hbm>> -> memref<384xi32, #tpu.memory_space<hbm>>
        %dma_start3A_278 = arith.constant 0 : i32
        %dma_start3A_279 = tpu.memref_slice %arg4[%add3A_14, %dma_start3A_278] : memref<64x384xi32, #tpu.memory_space<hbm>> -> memref<1x384xi32, #tpu.memory_space<hbm>>
        %dma_start3A_280 = tpu.memref_squeeze %dma_start3A_279 : memref<1x384xi32, #tpu.memory_space<hbm>> -> memref<384xi32, #tpu.memory_space<hbm>>
        %dma_start3A_281 = arith.constant 0 : i32
        %dma_start3A_282 = tpu.memref_slice %arg8[%dma_start3A_281] : memref<400xi32, #tpu.memory_space<vmem>> -> memref<384xi32, #tpu.memory_space<vmem>>
        tpu.enqueue_dma source(%dma_start3A_282 : memref<384xi32, #tpu.memory_space<vmem>>) target(%dma_start3A_280 : memref<384xi32, #tpu.memory_space<hbm>>) target_semaphore(%run_scoped3A : memref<!tpu.dma_semaphore, #tpu.memory_space<semaphore_mem>>)
        %dma_wait3A = arith.constant 0 : i32
        %dma_wait3A_283 = tpu.memref_slice %arg8[%dma_wait3A] : memref<400xi32, #tpu.memory_space<vmem>> -> memref<384xi32, #tpu.memory_space<vmem>>
        %dma_wait3A_284 = arith.constant 0 : i32
        %dma_wait3A_285 = tpu.memref_slice %arg4[%add3A_14, %dma_wait3A_284] : memref<64x384xi32, #tpu.memory_space<hbm>> -> memref<1x384xi32, #tpu.memory_space<hbm>>
        %dma_wait3A_286 = tpu.memref_squeeze %dma_wait3A_285 : memref<1x384xi32, #tpu.memory_space<hbm>> -> memref<384xi32, #tpu.memory_space<hbm>>
        %dma_wait3A_287 = arith.constant 0 : i32
        %dma_wait3A_288 = tpu.memref_slice %arg4[%add3A_14, %dma_wait3A_287] : memref<64x384xi32, #tpu.memory_space<hbm>> -> memref<1x384xi32, #tpu.memory_space<hbm>>
        %dma_wait3A_289 = tpu.memref_squeeze %dma_wait3A_288 : memref<1x384xi32, #tpu.memory_space<hbm>> -> memref<384xi32, #tpu.memory_space<hbm>>
        %dma_wait3A_290 = arith.constant 0 : i32
        %dma_wait3A_291 = tpu.memref_slice %arg8[%dma_wait3A_290] : memref<400xi32, #tpu.memory_space<vmem>> -> memref<384xi32, #tpu.memory_space<vmem>>
        tpu.wait_dma2 semaphore(%run_scoped3A : memref<!tpu.dma_semaphore, #tpu.memory_space<semaphore_mem>>) src(%dma_wait3A_291 : memref<384xi32, #tpu.memory_space<vmem>>) dst(%dma_wait3A_289 : memref<384xi32, #tpu.memory_space<hbm>>)
        tpu.yield
      }) : () -> ()
      %scan3A_273 = arith.constant 0 : i32
      scf.yield %scan3A_273 : i32
    }
    %scan3A_9 = arith.constant 2 : i32
    return
  }
}

module attributes {stable_mosaic.version = 14 : i64} {
  func.func @_rerank_body(%arg0: i32, %arg1: memref<16x384xf32, #tpu.memory_space<vmem>>, %arg2: memref<16x384xi32, #tpu.memory_space<vmem>>, %arg3: memref<4x16x900xf32, #tpu.memory_space<vmem>>, %arg4: memref<16x2xi32, #tpu.memory_space<vmem>>, %arg5: memref<16x300xf32, #tpu.memory_space<vmem>>, %arg6: memref<16x300xi32, #tpu.memory_space<vmem>>, %arg7: memref<4x16x300xf32, #tpu.memory_space<vmem>>) attributes {dimension_semantics = [#tpu.dimension_semantics<arbitrary>], iteration_bounds = array<i64: 4>, scalar_prefetch = 0 : i64, scratch_operands = 0 : i64, tpu.core_type = #tpu.core_type<tc>, window_params = [{transform_indices = @transform_0, window_bounds = array<i64: 16, 384>}, {transform_indices = @transform_1, window_bounds = array<i64: 16, 384>}, {transform_indices = @transform_2, window_bounds = array<i64: 4, 16, 900>}, {transform_indices = @transform_3, window_bounds = array<i64: 16, 2>}, {transform_indices = @transform_4, window_bounds = array<i64: 16, 300>}, {transform_indices = @transform_5, window_bounds = array<i64: 16, 300>}, {transform_indices = @transform_6, window_bounds = array<i64: 4, 16, 300>}]} {
    %get3A = arith.constant 0 : index
    %get3A_0 = arith.constant 0 : index
    %get3A_1 = vector.load %arg1[%get3A, %get3A_0] : memref<16x384xf32, #tpu.memory_space<vmem>>, vector<16x384xf32>
    %get3A_2 = arith.constant 0 : index
    %get3A_3 = arith.constant 0 : index
    %get3A_4 = vector.load %arg2[%get3A_2, %get3A_3] : memref<16x384xi32, #tpu.memory_space<vmem>>, vector<16x384xi32>
    %logistic3A = arith.negf %get3A_1 : vector<16x384xf32>
    %logistic3A_5 = math.exp %logistic3A : vector<16x384xf32>
    %logistic3A_6 = arith.constant 1.000000e+00 : f32
    %logistic3A_7 = vector.broadcast %logistic3A_6 : f32 to vector<16x384xf32>
    %logistic3A_8 = arith.addf %logistic3A_7, %logistic3A_5 : vector<16x384xf32>
    %logistic3A_9 = arith.divf %logistic3A_7, %logistic3A_8 : vector<16x384xf32>
    %broadcast_in_dim3A = vector.shape_cast %logistic3A_9 : vector<16x384xf32> to vector<16x384x1xf32>
    %broadcast_in_dim3A_10 = vector.shape_cast %logistic3A_9 : vector<16x384xf32> to vector<16x1x384xf32>
    %broadcast_in_dim3A_11 = vector.shape_cast %get3A_4 : vector<16x384xi32> to vector<16x384x1xi32>
    %broadcast_in_dim3A_12 = vector.shape_cast %get3A_4 : vector<16x384xi32> to vector<16x1x384xi32>
    %gt3A = vector.broadcast %broadcast_in_dim3A_10 : vector<16x1x384xf32> to vector<16x384x384xf32>
    %gt3A_13 = vector.broadcast %broadcast_in_dim3A : vector<16x384x1xf32> to vector<16x384x384xf32>
    %gt3A_14 = arith.cmpf ogt, %gt3A, %gt3A_13 : vector<16x384x384xf32>
    %eq3A = vector.broadcast %broadcast_in_dim3A_10 : vector<16x1x384xf32> to vector<16x384x384xf32>
    %eq3A_15 = vector.broadcast %broadcast_in_dim3A : vector<16x384x1xf32> to vector<16x384x384xf32>
    %eq3A_16 = arith.cmpf oeq, %eq3A, %eq3A_15 : vector<16x384x384xf32>
    %lt3A = vector.broadcast %broadcast_in_dim3A_12 : vector<16x1x384xi32> to vector<16x384x384xi32>
    %lt3A_17 = vector.broadcast %broadcast_in_dim3A_11 : vector<16x384x1xi32> to vector<16x384x384xi32>
    %lt3A_18 = arith.cmpi slt, %lt3A, %lt3A_17 : vector<16x384x384xi32>
    %and3A = arith.andi %eq3A_16, %lt3A_18 : vector<16x384x384xi1>
    %or3A = arith.ori %gt3A_14, %and3A : vector<16x384x384xi1>
    %convert_element_type3A = arith.extui %or3A : vector<16x384x384xi1> to vector<16x384x384xi32>
    %reduce_sum3A = arith.constant dense<0> : vector<16x384xi32>
    %reduce_sum3A_19 = vector.multi_reduction <add>, %convert_element_type3A, %reduce_sum3A [2] : vector<16x384x384xi32> to vector<16x384xi32>
    %broadcast_in_dim3A_20 = vector.shape_cast %reduce_sum3A_19 : vector<16x384xi32> to vector<16x384x1xi32>
    %iota3A = tpu.iota {dimensions = array<i32: 2>} : vector<16x384x300xi32>
    %eq3A_21 = vector.broadcast %broadcast_in_dim3A_20 : vector<16x384x1xi32> to vector<16x384x300xi32>
    %eq3A_22 = arith.cmpi eq, %eq3A_21, %iota3A : vector<16x384x300xi32>
    %convert_element_type3A_23 = arith.extui %eq3A_22 : vector<16x384x300xi1> to vector<16x384x300xi32>
    %convert_element_type3A_24 = arith.sitofp %convert_element_type3A_23 : vector<16x384x300xi32> to vector<16x384x300xf32>
    %dot_general3A = arith.constant dense<0.000000e+00> : vector<16x300xf32>
    %dot_general3A_25 = tpu.matmul %logistic3A_9, %convert_element_type3A_24, %dot_general3A {dimension_numbers = #tpu.dot_dimension_numbers<[1], [1], [], [2], [0, 0, 1, 2], [0], [0]>, precision = #tpu.contract_precision<fp32>, transpose_lhs_hint = false} : vector<16x384xf32>, vector<16x384x300xf32>, vector<16x300xf32> -> vector<16x300xf32>
    %swap3A = arith.constant 0 : index
    %swap3A_26 = arith.constant 0 : index
    %swap3A_27 = vector.load %arg5[%swap3A, %swap3A_26] : memref<16x300xf32, #tpu.memory_space<vmem>>, vector<16x300xf32>
    tpu.vector_store %arg5[%swap3A, %swap3A_26], %dot_general3A_25 {strides = array<i32>} : memref<16x300xf32, #tpu.memory_space<vmem>>, vector<16x300xf32>,
    %and3A_28 = arith.constant 127 : i32
    %and3A_29 = vector.broadcast %and3A_28 : i32 to vector<16x384xi32>
    %and3A_30 = arith.andi %get3A_4, %and3A_29 : vector<16x384xi32>
    %convert_element_type3A_31 = arith.sitofp %and3A_30 : vector<16x384xi32> to vector<16x384xf32>
    %dot_general3A_32 = arith.constant dense<0.000000e+00> : vector<16x300xf32>
    %dot_general3A_33 = tpu.matmul %convert_element_type3A_31, %convert_element_type3A_24, %dot_general3A_32 {dimension_numbers = #tpu.dot_dimension_numbers<[1], [1], [], [2], [0, 0, 1, 2], [0], [0]>, precision = #tpu.contract_precision<fp32>, transpose_lhs_hint = false} : vector<16x384xf32>, vector<16x384x300xf32>, vector<16x300xf32> -> vector<16x300xf32>
    %convert_element_type3A_34 = arith.fptosi %dot_general3A_33 : vector<16x300xf32> to vector<16x300xi32>
    %swap3A_35 = arith.constant 0 : index
    %swap3A_36 = arith.constant 0 : index
    %swap3A_37 = vector.load %arg6[%swap3A_35, %swap3A_36] : memref<16x300xi32, #tpu.memory_space<vmem>>, vector<16x300xi32>
    tpu.vector_store %arg6[%swap3A_35, %swap3A_36], %convert_element_type3A_34 {strides = array<i32>} : memref<16x300xi32, #tpu.memory_space<vmem>>, vector<16x300xi32>,
    %shift_right_arithmetic3A = arith.constant 7 : i32
    %shift_right_arithmetic3A_38 = vector.broadcast %shift_right_arithmetic3A : i32 to vector<16x384xi32>
    %shift_right_arithmetic3A_39 = arith.shrsi %get3A_4, %shift_right_arithmetic3A_38 : vector<16x384xi32>
    %convert_element_type3A_40 = arith.sitofp %shift_right_arithmetic3A_39 : vector<16x384xi32> to vector<16x384xf32>
    %dot_general3A_41 = arith.constant dense<0.000000e+00> : vector<16x300xf32>
    %dot_general3A_42 = tpu.matmul %convert_element_type3A_40, %convert_element_type3A_24, %dot_general3A_41 {dimension_numbers = #tpu.dot_dimension_numbers<[1], [1], [], [2], [0, 0, 1, 2], [0], [0]>, precision = #tpu.contract_precision<fp32>, transpose_lhs_hint = false} : vector<16x384xf32>, vector<16x384x300xf32>, vector<16x300xf32> -> vector<16x300xf32>
    %convert_element_type3A_43 = arith.fptosi %dot_general3A_42 : vector<16x300xf32> to vector<16x300xi32>
    %broadcast_in_dim3A_44 = vector.shape_cast %convert_element_type3A_43 : vector<16x300xi32> to vector<16x300x1xi32>
    %iota3A_45 = tpu.iota {dimensions = array<i32: 2>} : vector<16x300x900xi32>
    %eq3A_46 = vector.broadcast %broadcast_in_dim3A_44 : vector<16x300x1xi32> to vector<16x300x900xi32>
    %eq3A_47 = arith.cmpi eq, %eq3A_46, %iota3A_45 : vector<16x300x900xi32>
    %convert_element_type3A_48 = arith.extui %eq3A_47 : vector<16x300x900xi1> to vector<16x300x900xi32>
    %convert_element_type3A_49 = arith.sitofp %convert_element_type3A_48 : vector<16x300x900xi32> to vector<16x300x900xf32>
    %get3A_50 = arith.constant 0 : index
    %get3A_51 = arith.constant 0 : index
    %get3A_52 = arith.constant 0 : index
    %get3A_53 = vector.load %arg3[%get3A_50, %get3A_51, %get3A_52] : memref<4x16x900xf32, #tpu.memory_space<vmem>>, vector<1x16x900xf32>
    %get3A_54 = vector.shape_cast %get3A_53 : vector<1x16x900xf32> to vector<16x900xf32>
    %get3A_55 = arith.constant 1 : index
    %get3A_56 = arith.constant 0 : index
    %get3A_57 = arith.constant 0 : index
    %get3A_58 = vector.load %arg3[%get3A_55, %get3A_56, %get3A_57] : memref<4x16x900xf32, #tpu.memory_space<vmem>>, vector<1x16x900xf32>
    %get3A_59 = vector.shape_cast %get3A_58 : vector<1x16x900xf32> to vector<16x900xf32>
    %get3A_60 = arith.constant 2 : index
    %get3A_61 = arith.constant 0 : index
    %get3A_62 = arith.constant 0 : index
    %get3A_63 = vector.load %arg3[%get3A_60, %get3A_61, %get3A_62] : memref<4x16x900xf32, #tpu.memory_space<vmem>>, vector<1x16x900xf32>
    %get3A_64 = vector.shape_cast %get3A_63 : vector<1x16x900xf32> to vector<16x900xf32>
    %get3A_65 = arith.constant 3 : index
    %get3A_66 = arith.constant 0 : index
    %get3A_67 = arith.constant 0 : index
    %get3A_68 = vector.load %arg3[%get3A_65, %get3A_66, %get3A_67] : memref<4x16x900xf32, #tpu.memory_space<vmem>>, vector<1x16x900xf32>
    %get3A_69 = vector.shape_cast %get3A_68 : vector<1x16x900xf32> to vector<16x900xf32>
    %get3A_70 = arith.constant 0 : index
    %get3A_71 = arith.constant 0 : index
    %get3A_72 = vector.load %arg4[%get3A_70, %get3A_71] : memref<16x2xi32, #tpu.memory_space<vmem>>, vector<16x1xi32>
    %get3A_73 = vector.shape_cast %get3A_72 : vector<16x1xi32> to vector<16xi32>
    %convert_element_type3A_74 = arith.sitofp %get3A_73 : vector<16xi32> to vector<16xf32>
    %broadcast_in_dim3A_75 = vector.shape_cast %convert_element_type3A_74 : vector<16xf32> to vector<16x1xf32>
    %get3A_76 = arith.constant 0 : index
    %get3A_77 = arith.constant 1 : index
    %get3A_78 = vector.load %arg4[%get3A_76, %get3A_77] : memref<16x2xi32, #tpu.memory_space<vmem>>, vector<16x1xi32>
    %get3A_79 = vector.shape_cast %get3A_78 : vector<16x1xi32> to vector<16xi32>
    %convert_element_type3A_80 = arith.sitofp %get3A_79 : vector<16xi32> to vector<16xf32>
    %broadcast_in_dim3A_81 = vector.shape_cast %convert_element_type3A_80 : vector<16xf32> to vector<16x1xf32>
    %mul3A = arith.constant 5.000000e-01 : f32
    %mul3A_82 = vector.broadcast %mul3A : f32 to vector<16x900xf32>
    %mul3A_83 = arith.mulf %mul3A_82, %get3A_64 : vector<16x900xf32>
    %sub3A = arith.subf %get3A_54, %mul3A_83 : vector<16x900xf32>
    %mul3A_84 = vector.broadcast %broadcast_in_dim3A_81 : vector<16x1xf32> to vector<16x900xf32>
    %mul3A_85 = arith.mulf %sub3A, %mul3A_84 : vector<16x900xf32>
    %dot_general3A_86 = arith.constant dense<0.000000e+00> : vector<16x300xf32>
    %dot_general3A_87 = tpu.matmul %convert_element_type3A_49, %mul3A_85, %dot_general3A_86 {dimension_numbers = #tpu.dot_dimension_numbers<[2], [1], [1], [], [0, 0, 0, 1], [0], [0]>, precision = #tpu.contract_precision<fp32>, transpose_lhs_hint = false} : vector<16x300x900xf32>, vector<16x900xf32>, vector<16x300xf32> -> vector<16x300xf32>
    %swap3A_88 = arith.constant 0 : index
    %swap3A_89 = arith.constant 0 : index
    %swap3A_90 = arith.constant 0 : index
    %swap3A_91 = vector.load %arg7[%swap3A_88, %swap3A_89, %swap3A_90] : memref<4x16x300xf32, #tpu.memory_space<vmem>>, vector<1x16x300xf32>
    %swap3A_92 = vector.shape_cast %swap3A_91 : vector<1x16x300xf32> to vector<16x300xf32>
    %swap3A_93 = vector.shape_cast %dot_general3A_87 : vector<16x300xf32> to vector<1x16x300xf32>
    tpu.vector_store %arg7[%swap3A_88, %swap3A_89, %swap3A_90], %swap3A_93 {strides = array<i32>} : memref<4x16x300xf32, #tpu.memory_space<vmem>>, vector<1x16x300xf32>,
    %mul3A_94 = arith.constant 5.000000e-01 : f32
    %mul3A_95 = vector.broadcast %mul3A_94 : f32 to vector<16x900xf32>
    %mul3A_96 = arith.mulf %mul3A_95, %get3A_69 : vector<16x900xf32>
    %sub3A_97 = arith.subf %get3A_59, %mul3A_96 : vector<16x900xf32>
    %mul3A_98 = vector.broadcast %broadcast_in_dim3A_75 : vector<16x1xf32> to vector<16x900xf32>
    %mul3A_99 = arith.mulf %sub3A_97, %mul3A_98 : vector<16x900xf32>
    %dot_general3A_100 = arith.constant dense<0.000000e+00> : vector<16x300xf32>
    %dot_general3A_101 = tpu.matmul %convert_element_type3A_49, %mul3A_99, %dot_general3A_100 {dimension_numbers = #tpu.dot_dimension_numbers<[2], [1], [1], [], [0, 0, 0, 1], [0], [0]>, precision = #tpu.contract_precision<fp32>, transpose_lhs_hint = false} : vector<16x300x900xf32>, vector<16x900xf32>, vector<16x300xf32> -> vector<16x300xf32>
    %swap3A_102 = arith.constant 1 : index
    %swap3A_103 = arith.constant 0 : index
    %swap3A_104 = arith.constant 0 : index
    %swap3A_105 = vector.load %arg7[%swap3A_102, %swap3A_103, %swap3A_104] : memref<4x16x300xf32, #tpu.memory_space<vmem>>, vector<1x16x300xf32>
    %swap3A_106 = vector.shape_cast %swap3A_105 : vector<1x16x300xf32> to vector<16x300xf32>
    %swap3A_107 = vector.shape_cast %dot_general3A_101 : vector<16x300xf32> to vector<1x16x300xf32>
    tpu.vector_store %arg7[%swap3A_102, %swap3A_103, %swap3A_104], %swap3A_107 {strides = array<i32>} : memref<4x16x300xf32, #tpu.memory_space<vmem>>, vector<1x16x300xf32>,
    %mul3A_108 = arith.constant 5.000000e-01 : f32
    %mul3A_109 = vector.broadcast %mul3A_108 : f32 to vector<16x900xf32>
    %mul3A_110 = arith.mulf %mul3A_109, %get3A_64 : vector<16x900xf32>
    %add3A = arith.addf %get3A_54, %mul3A_110 : vector<16x900xf32>
    %mul3A_111 = vector.broadcast %broadcast_in_dim3A_81 : vector<16x1xf32> to vector<16x900xf32>
    %mul3A_112 = arith.mulf %add3A, %mul3A_111 : vector<16x900xf32>
    %dot_general3A_113 = arith.constant dense<0.000000e+00> : vector<16x300xf32>
    %dot_general3A_114 = tpu.matmul %convert_element_type3A_49, %mul3A_112, %dot_general3A_113 {dimension_numbers = #tpu.dot_dimension_numbers<[2], [1], [1], [], [0, 0, 0, 1], [0], [0]>, precision = #tpu.contract_precision<fp32>, transpose_lhs_hint = false} : vector<16x300x900xf32>, vector<16x900xf32>, vector<16x300xf32> -> vector<16x300xf32>
    %swap3A_115 = arith.constant 2 : index
    %swap3A_116 = arith.constant 0 : index
    %swap3A_117 = arith.constant 0 : index
    %swap3A_118 = vector.load %arg7[%swap3A_115, %swap3A_116, %swap3A_117] : memref<4x16x300xf32, #tpu.memory_space<vmem>>, vector<1x16x300xf32>
    %swap3A_119 = vector.shape_cast %swap3A_118 : vector<1x16x300xf32> to vector<16x300xf32>
    %swap3A_120 = vector.shape_cast %dot_general3A_114 : vector<16x300xf32> to vector<1x16x300xf32>
    tpu.vector_store %arg7[%swap3A_115, %swap3A_116, %swap3A_117], %swap3A_120 {strides = array<i32>} : memref<4x16x300xf32, #tpu.memory_space<vmem>>, vector<1x16x300xf32>,
    %mul3A_121 = arith.constant 5.000000e-01 : f32
    %mul3A_122 = vector.broadcast %mul3A_121 : f32 to vector<16x900xf32>
    %mul3A_123 = arith.mulf %mul3A_122, %get3A_69 : vector<16x900xf32>
    %add3A_124 = arith.addf %get3A_59, %mul3A_123 : vector<16x900xf32>
    %mul3A_125 = vector.broadcast %broadcast_in_dim3A_75 : vector<16x1xf32> to vector<16x900xf32>
    %mul3A_126 = arith.mulf %add3A_124, %mul3A_125 : vector<16x900xf32>
    %dot_general3A_127 = arith.constant dense<0.000000e+00> : vector<16x300xf32>
    %dot_general3A_128 = tpu.matmul %convert_element_type3A_49, %mul3A_126, %dot_general3A_127 {dimension_numbers = #tpu.dot_dimension_numbers<[2], [1], [1], [], [0, 0, 0, 1], [0], [0]>, precision = #tpu.contract_precision<fp32>, transpose_lhs_hint = false} : vector<16x300x900xf32>, vector<16x900xf32>, vector<16x300xf32> -> vector<16x300xf32>
    %swap3A_129 = arith.constant 3 : index
    %swap3A_130 = arith.constant 0 : index
    %swap3A_131 = arith.constant 0 : index
    %swap3A_132 = vector.load %arg7[%swap3A_129, %swap3A_130, %swap3A_131] : memref<4x16x300xf32, #tpu.memory_space<vmem>>, vector<1x16x300xf32>
    %swap3A_133 = vector.shape_cast %swap3A_132 : vector<1x16x300xf32> to vector<16x300xf32>
    %swap3A_134 = vector.shape_cast %dot_general3A_128 : vector<16x300xf32> to vector<1x16x300xf32>
    tpu.vector_store %arg7[%swap3A_129, %swap3A_130, %swap3A_131], %swap3A_134 {strides = array<i32>} : memref<4x16x300xf32, #tpu.memory_space<vmem>>, vector<1x16x300xf32>,
    return
  }
  func.func @transform_0(%arg0: i32) -> (i32, i32) {
    %c0_i32 = arith.constant 0 : i32
    %c0_i32_0 = arith.constant 0 : i32
    return %arg0, %c0_i32 : i32, i32
  }
  func.func @transform_1(%arg0: i32) -> (i32, i32) {
    %c0_i32 = arith.constant 0 : i32
    %c0_i32_0 = arith.constant 0 : i32
    return %arg0, %c0_i32 : i32, i32
  }
  func.func @transform_2(%arg0: i32) -> (i32, i32, i32) {
    %c0_i32 = arith.constant 0 : i32
    %c0_i32_0 = arith.constant 0 : i32
    %c0_i32_1 = arith.constant 0 : i32
    return %c0_i32, %arg0, %c0_i32_0 : i32, i32, i32
  }
  func.func @transform_3(%arg0: i32) -> (i32, i32) {
    %c0_i32 = arith.constant 0 : i32
    %c0_i32_0 = arith.constant 0 : i32
    return %arg0, %c0_i32 : i32, i32
  }
  func.func @transform_4(%arg0: i32) -> (i32, i32) {
    %c0_i32 = arith.constant 0 : i32
    %c0_i32_0 = arith.constant 0 : i32
    return %arg0, %c0_i32 : i32, i32
  }
  func.func @transform_5(%arg0: i32) -> (i32, i32) {
    %c0_i32 = arith.constant 0 : i32
    %c0_i32_0 = arith.constant 0 : i32
    return %arg0, %c0_i32 : i32, i32
  }
  func.func @transform_6(%arg0: i32) -> (i32, i32, i32) {
    %c0_i32 = arith.constant 0 : i32
    %c0_i32_0 = arith.constant 0 : i32
    %c0_i32_1 = arith.constant 0 : i32
    return %c0_i32, %arg0, %c0_i32_0 : i32, i32, i32
  }
}

</mosaic_0001>

<sc_bundles>
// kernel: kernel.4.cloned.1.call-start
scs
__scs_entry_jumppad:
0x0: {  	(pc) =	sbr.rel $0x88, $3  }
0x1: {  	(tag) =	ssettag $0x0;
	lr =	simm.s32 $0x1  }
0x2: {  	[smem:$0x3F9D] =	sst lr;
	_ =	strace $0xD0000000  }
0x3: {  	_ = 	snop  }
0x4: {  	_ = 	snop  }
0x5: {  	_ = 	snop  }
0x6: {  	_ = 	snop  }
0x7: {  	_ = 	snop  }
__scs_overlays_trampoline_lowered:
0x8: {  	[smem:$0x3FAC] =	sst s0  }
0x9: {  	[smem:$0x3FAD] =	sst s1  }
0xa: {  	[smem:$0x3FAE] =	sst s2  }
0xb: {  	[smem:$0x3FAF] =	sst s3  }
0xc: {  	[smem:$0x3FB0] =	sst s4  }
0xd: {  	[smem:$0x3FB1] =	sst s5  }
0xe: {  	[smem:$0x3FB2] =	sst s6  }
0xf: {  	[smem:$0x3FB3] =	sst s7  }
0x10: {  	[smem:$0x3FB4] =	sst s8  }
0x11: {  	[smem:$0x3FB5] =	sst s9;
	s0 =	simm.s32 @!p0 $0x0  }
0x12: {  	s1 =	sld [smem:$0x3F9B];
	s0 =	simm.s32 @p0 $0x1  }
0x13: {  	[smem:$0x3FB6] =	sst s0;
	s0 =	simm.s32 @!p1 $0x0  }
0x14: {  	s2 =	sld [smem:$0x3F9A];
	s0 =	simm.s32 @p1 $0x1  }
0x15: {  	[smem:$0x3FB7] =	sst s0;
	s0 =	simm.s32 @!p2 $0x0  }
0x16: {  	s3 =	sld [smem:$0x3FDB];
	s0 =	simm.s32 @p2 $0x1  }
0x17: {  	s4 =	simm.s32 $0x1BF5;
	[smem:$0x3FB9] =	sst s0  }
0x18: {  	s0 =	sld [smem:$0x3F9C];
	_ =	swait.ge [sflag:s4], $0x0  }
0x19: {  	s7 =	sld [smem:$0x3F9D]  }
0x1a: {  	s8 =	sadd.s32 $0xFFFFE003, lr  }
0x1b: {  	s9 =	sadd.s32 $0xFFFFFEF7, lr;
	s5 =	simm.s32 $0xFFFFFFFF;
	p2 =	slt.u32 s8, $0xFFFFF086  }
0x1c: {  	p1 =	slt.u32 s9, $0xF7A;
	s5 =	simm.s32 @!p2 $0x0  }
0x1d: {  	s5 =	simm.s32 @p1 $0x1;
	p0 =	seq.s32 s7, s2  }
0x1e: {  	s7 =	smul.u32 @!p0 $0xF7A, s2;
	p2 =	seq.s32 @!p0 s5, $0x0  }
0x1f: {  	s9 =	smul.u32 $0xF7A, s1;
	s8 =	simm.s32 @!p0 $0x1BF5;
	p2 =	por !p2, p0  }
0x20: {  	[sflag:s8] =	ssyncset.s32 @!p0 $0xFFFFF086;
	s6 =	sadd.s32 @!p0 s3, s7;
	s7 =	simm.s32 @!p0 $0x108  }
0x21: {  	s3 =	sadd.s32 s3, s9;
	s6 =	sadd.s32 @!p0 $0x88, s6;
	s7 =	simm.s32 @p2 $0x1082  }
0x22: {  	[simem:s7], [sflag:s8] =	dma.local @!p0 [hbm:s6], $0xF7A  }
0x23: {  	s9 =	sor.u32 $0xD0000000, s2;
	s6 =	simm.s32 $0x108;
	_ =	swait.ge @!p0 [sflag:s8], $0x0  }
0x24: {  	s3 =	sadd.s32 $0x88, s3;
	s6 =	simm.s32 @!p1 $0x1082;
	[sflag:s4] =	ssyncset.s32 $0xFFFFF086  }
0x25: {  	[simem:s6], [sflag:s4] =	dma.local [hbm:s3], $0xF7A  }
0x26: {  	[smem:$0x3F9D] =	sst s1;
	(tag) =	ssettag s2;
	_ =	strace s9  }
0x27: {  	s1 =	sld [smem:$0x3FAD]  }
0x28: {  	s2 =	sld [smem:$0x3FAE]  }
0x29: {  	s4 =	sld [smem:$0x3FB0]  }
0x2a: {  	p0 =	seq.s32 s5, $0x0;
	s5 =	sld [smem:$0x3FB1]  }
0x2b: {  	s6 =	sld [smem:$0x3FB2]  }
0x2c: {  	s7 =	sld [smem:$0x3FB3]  }
0x2d: {  	s3 =	simm.s32 $0x108;
	s8 =	sld [smem:$0x3FB4]  }
0x2e: {  	s3 =	simm.s32 @!p0 $0x1082;
	s9 =	sld [smem:$0x3FB5]  }
0x2f: {  	lr =	sadd.s32 s0, s3;
	s0 =	sld [smem:$0x3FAC]  }
0x30: {  	s3 =	sld [smem:$0x3FAF]  }
0x31: {  	[smem:$0x3FB8] =	sst s10  }
0x32: {  	s10 =	sld [smem:$0x3FB6];
	_ =	sdelay $0x3  }
0x33: {  	p0 =	seq.s32 s10, $0x1;
	s10 =	sld [smem:$0x3FB8];
	_ =	sdelay $0x3  }
0x34: {  	[smem:$0x3FB8] =	sst s10  }
0x35: {  	s10 =	sld [smem:$0x3FB7];
	_ =	sdelay $0x3  }
0x36: {  	p1 =	seq.s32 s10, $0x1;
	s10 =	sld [smem:$0x3FB8];
	_ =	sdelay $0x3  }
0x37: {  	[smem:$0x3FB8] =	sst s10  }
0x38: {  	s10 =	sld [smem:$0x3FB9]  }
0x39: {  	_ = 	snop;
	(pc) =	sbr.ind lr, $3  }
0x3a: {  	_ = 	snop  }
0x3b: {  	_ = 	snop  }
0x3c: {  	p2 =	seq.s32 s10, $0x1;
	s10 =	sld [smem:$0x3FB8]  }
0x3d: {  	_ =	shalt  }
0x3e: {  	_ =	shalt  }
0x3f: {  	_ =	shalt  }
0x40: {  	_ =	shalt  }
0x41: {  	_ =	shalt  }
0x42: {  	_ =	shalt  }
0x43: {  	_ =	shalt  }
0x44: {  	_ =	shalt  }
0x45: {  	_ =	shalt  }
0x46: {  	_ =	shalt  }
0x47: {  	_ =	shalt  }
0x48: {  	_ =	shalt  }
0x49: {  	_ =	shalt  }
0x4a: {  	_ =	shalt  }
0x4b: {  	_ =	shalt  }
0x4c: {  	_ =	shalt  }
0x4d: {  	_ =	shalt  }
0x4e: {  	_ =	shalt  }
0x4f: {  	_ =	shalt  }
0x50: {  	_ =	shalt  }
0x51: {  	_ =	shalt  }
0x52: {  	_ =	shalt  }
0x53: {  	_ =	shalt  }
0x54: {  	_ =	shalt  }
0x55: {  	_ =	shalt  }
0x56: {  	_ =	shalt  }
0x57: {  	_ =	shalt  }
0x58: {  	_ =	shalt  }
0x59: {  	_ =	shalt  }
0x5a: {  	_ =	shalt  }
0x5b: {  	_ =	shalt  }
0x5c: {  	_ =	shalt  }
0x5d: {  	_ =	shalt  }
0x5e: {  	_ =	shalt  }
0x5f: {  	_ =	shalt  }
0x60: {  	_ =	shalt  }
0x61: {  	_ =	shalt  }
0x62: {  	_ =	shalt  }
0x63: {  	_ =	shalt  }
0x64: {  	_ =	shalt  }
0x65: {  	_ =	shalt  }
0x66: {  	_ =	shalt  }
0x67: {  	_ =	shalt  }
0x68: {  	_ =	shalt  }
0x69: {  	_ =	shalt  }
0x6a: {  	_ =	shalt  }
0x6b: {  	_ =	shalt  }
0x6c: {  	_ =	shalt  }
0x6d: {  	_ =	shalt  }
0x6e: {  	_ =	shalt  }
0x6f: {  	_ =	shalt  }
0x70: {  	_ =	shalt  }
0x71: {  	_ =	shalt  }
0x72: {  	_ =	shalt  }
0x73: {  	_ =	shalt  }
0x74: {  	_ =	shalt  }
0x75: {  	_ =	shalt  }
0x76: {  	_ =	shalt  }
0x77: {  	_ =	shalt  }
0x78: {  	_ =	shalt  }
0x79: {  	_ =	shalt  }
0x7a: {  	_ =	shalt  }
0x7b: {  	_ =	shalt  }
0x7c: {  	_ =	shalt  }
0x7d: {  	_ =	shalt  }
0x7e: {  	_ =	shalt  }
0x7f: {  	_ =	shalt  }
0x80: {  	_ =	shalt  }
0x81: {  	_ =	shalt  }
0x82: {  	_ =	shalt  }
0x83: {  	_ =	shalt  }
0x84: {  	_ =	shalt  }
0x85: {  	_ =	shalt  }
0x86: {  	_ =	shalt  }
0x87: {  	_ =	shalt  }
.Lfunc_end0:
.L_simem_size_0:
called_computation_lowered:
.L_overlay_start_0:
0x88: {  	s2 =	sld [smem:$0x3FD9]  }
0x89: {  	s3 =	sld [smem:$0x3FFE];
	_ =	sdelay $0x1  }
0x8a: {  	s1 =	srdreg.scid  }
0x8b: {  	s0 =	sand.u32 $0x1, s1  }
0x8c: {  	s14 =	sshll.u32 s0, $0xA;
	s2 =	sadd.s32 s3, s2  }
0x8d: {  	s2 =	sadd.s32 s2, s14  }
0x8e: {  	[smem:$0x3FC4] =	sst s2  }
0x8f: {  	_ = 	snop  }
0x90: {  	s2 =	sld [smem:$0x3FD0];
	_ =	sdelay $0x2  }
0x91: {  	s15 =	simm.s32 $0xA;
	s4 =	simm.s32 $0x10  }
0x92: {  	[smem:s4], [sflag:s15] =	dma.local [hbm:s2], $0x1  }
0x93: {  	_ =	swait.eq [sflag:s15], $0x1  }
0x94: {  	[sflag:s15] =	ssyncset.done $0x0  }
0x95: {  	s16 =	sld [smem:$0x10];
	[sflag:s15] =	ssyncadd.s32 $0xFFFFFFFF  }
0x96: {  	s17 =	sld [smem:$0x11];
	(tm) =	ssettm $0x1  }
0x97: {  	s18 =	sld [smem:$0x3FFB];
	_ =	sdelay $0x3  }
0x98: {  	_ =	strace s18  }
0x99: {  	s4 =	sld [smem:$0x3FFC];
	_ =	sdelay $0x3  }
0x9a: {  	_ =	strace s4  }
0x9b: {  	s4 =	sld [smem:$0x3FFD];
	_ =	sdelay $0x3  }
0x9c: {  	_ =	strace s4  }
0x9d: {  	_ =	strace $0x8FFFFFFF  }
0x9e: {  	s19 =	sld [smem:$0x3FDB];
	_ =	sdelay $0x1  }
0x9f: {  	s5 =	simm.s32 $_scs_section_size  }
0xa0: {  	s6 =	simm.s32 $_size__tile_overlayer_lowered;
	s7 =	simm.s32 $_tile_overlayer_lowered  }
0xa1: {  	s22 =	simm.s32 $0x1BFF;
	s21 =	sshll.u32 s7, $0x1;
	s4 =	sadd.s32 s5, s19  }
0xa2: {  	s8 =	simm.s32 $0x0;
	s20 =	sshll.u32 s6, $0x1;
	s6 =	sadd.s32 s21, s4  }
0xa3: {  	[timem:s8], [sflag:s22] =	dma.local [hbm:s6], s20  }
0xa4: {  	_ =	swait.ge [sflag:s22], s20  }
0xa5: {  	s5 =	ssub.s32 $0x0, s20;
	[sflag:s22] =	ssyncset.done $0x0  }
0xa6: {  	[sflag:s22] =	ssyncadd.s32 s5;
	_ =	sdelay $0x1  }
0xa7: {  	s23 =	simm.s32 $0x1B8B  }
0xa8: {  	_ =	swait.ge [sflag:s23], $0x1  }
0xa9: {  	[sflag:s23] =	ssyncset.done $0x0  }
0xaa: {  	s25 =	simm.s32 $0x1B8E;
	s24 =	sld [smem:$0x3FFE];
	[sflag:s23] =	ssyncadd.s32 $0xFFFFFFFF  }
0xab: {  	s26 =	simm.s32 $execute0_lowered;
	[smem:$0x3FD2] =	sst s25  }
0xac: {  	s6 =	sshll.u32 s26, $0x1;
	_ =	strace $0x80000046;
	[dreg:$0x1] =	wrdreg $0xFFFFFFFF  }
0xad: {  	s28 =	simm.s32 $_size_execute0_lowered;
	s4 =	sadd.s32 s4, s6;
	[dreg:$0x0] =	wrdreg $0x0  }
0xae: {  	s6 =	sshll.u32 s28, $0x1;
	[dreg:$0x2] =	wrdreg s4  }
0xaf: {  	[dreg:$0x3] =	wrdreg s6  }
0xb0: {  	[dreg:$0x4] =	wrdreg $0xC0  }
0xb1: {  	_ =	task [dreg:s8], $0x5FFFF  }
0xb2: {  	[dreg:$0x1] =	wrdreg $0xFFFFFFFF  }
0xb3: {  	[dreg:$0x0] =	wrdreg $0x60  }
0xb4: {  	[dreg:$0x2] =	wrdreg s24  }
0xb5: {  	[dreg:$0x3] =	wrdreg s17  }
0xb6: {  	[dreg:$0x4] =	wrdreg s16  }
0xb7: {  	[dreg:$0x5] =	wrdreg $0x9  }
0xb8: {  	_ =	task.clear_ibuf [dreg:s8], $0x6FFFF;
	_ =	strace $0x90000046  }
0xb9: {  	s29 =	simm.s32 $0x9;
	_ =	strace $0x80000048  }
0xba: {  	_ =	swait.ge [sflag:s29], $0x1  }
0xbb: {  	[sflag:s29] =	ssyncadd.s32 $0xFFFFFFFF  }
0xbc: {  	_ =	strace $0x90000048  }
0xbd: {  	_ =	sfence  }
0xbe: {  	s30 =	sld [smem:$0x0];
	_ =	sdelay $0x2  }
0xbf: {  	s31 =	sshll.u32 s1, $0xD;
	s1 =	sshrl.u32 s1, $0x2  }
0xc0: {  	s3 =	sand.u32 $0x4000, s31;
	s1 =	sadd.s32 s1, s30  }
0xc1: {  	s0 =	sor.u32 s3, s0;
	s1 =	sshll.u32 s1, $0x11  }
0xc2: {  	s0 =	sor.u32 s1, s0  }
0xc3: {  	s0 =	sadd.s32 $0x8F2B, s0  }
0xc4: {  	[sflag:s0] =	ssyncadd.remote.s32 $0x1  }
0xc5: {  	_ =	sfence.sel $0xFFFF  }
0xc6: {  	[dreg:$0x0] =	wrdreg $0xFFFFFFFF;
	(pc) =	sbr.abs _section_cstart, $3  }
0xc7: {  	[dreg:$0x1] =	wrdreg $0xFFFFFFFF  }
0xc8: {  	_ =	task.clear_ibuf [dreg:s8], $0x2FFFF;
	_ =	strace $0x9FFFFFFF  }
0xc9: {  	(tm) =	ssettm $0x7FFFFFFF  }
tec
execute0_lowered:
.L_overlay_start_1:
0x0: {  	(tag) =	ssettag $0x1  }
0x1: {  	s4 =	rddreg [dreg:$0x0]  }
0x2: {  	s1 =	rddreg [dreg:$0x1]  }
0x3: {  	s2 =	rddreg [dreg:$0x2]  }
0x4: {  	s0 =	rddreg [dreg:$0x3]  }
0x5: {  	s3 =	simm.s32 $0x0;
	s5 =	srdreg.scid;
	s10 =	simm.s32 $0x1C400  }
0x6: {  	s11 =	simm.s32 $0x1D600;
	s12 =	simm.s32 $0x1D400;
	s13 =	simm.s32 $0x80  }
0x7: {  	s14 =	simm.s32 $0x400;
	s15 =	simm.s32 $0x0;
	[smem:$0x7FF] =	sst s3  }
.Ltmp0:
0x8: {  	s6 =	sand.u32 $0x1, s5;
	s5 =	sadd.s32 $0x1400, s4;
	(pc) =	sbr.rel .LBB2_1-.Ltmp0, $4  }
0x9: {  	s4 =	stileid.u32;
	_ =	strace $0x80000047;
	s7 =	ssub.s32 $0x2, s6  }
0xa: {  	s9 =	sshll.u32 s4, $0x2;
	s6 =	sshll.u32 s6, $0x1;
	s8 =	sshrl.u32 s7, $0x1  }
0xb: {  	v0 =	vimm.s32 $0x0;
	v1 =	vlaneseq.u32;
	s31 =	sshrl.u32 s4, $0x1;
	s6 =	sor.u32 s6, s9;
	s8 =	ssub.s32 s7, s8  }
0xc: {  	v2 =	vimm.s32 $0x1;
	v3 =	vimm.f32 $-Inf;
	v4 =	vimm.s32 $0x1C400;
	s9 =	simm.s32 $0x1;
	s7 =	smul.u32 $0xC00, s31;
	s8 =	smax.u32 s8, $0x1  }
.LBB2_33:
0xd: {  	s15 =	sadd.s32 $0x1, s15  }
0xe: {  	p0 =	sne.s32 s15, s8  }
.Ltmp1:
0xf: {  	_ = 	snop;
	(pc) =	sbr.rel @!p0 .LBB2_34-.Ltmp1, $1  }
0x10: {  	_ =	sdelay $0x3  }
.LBB2_1:
0x11: {  	p0 =	por $0x1, $0x1;
	s16 =	simm.s32 $0x0  }
.LBB2_2:
0x12: {  	s16 =	sor.u32 s6, s16  }
0x13: {  	s17 =	smul.u32 $0x3880, s16;
	_ =	sdelay $0x1  }
0x14: {  	s17 =	sadd.s32 s5, s17  }
0x15: {  	[tilespmem:s3], [sflag:$0x1] =	stream.linear.gather [hbm4b:s17+s3], $0x1C400, $0x38;
	[tilespmem:$0x1D800] =	vst v63  }
0x16: {  	_ =	swait.ge [sflag:s9], $0x1C400  }
0x17: {  	[sflag:s9] =	ssyncset.done $0x0  }
0x18: {  	s18 =	simm.s32 $0x1C440;
	[sflag:s9] =	ssyncadd.s32 $0xFFFE3C00  }
0x19: {  	[tilespmem:s18+$0xFFFFFFC0] =	vst v0  }
0x1a: {  	[tilespmem:s18+$0x30] =	vst v0  }
0x1b: {  	[tilespmem:s18+$0x20] =	vst v0  }
0x1c: {  	[tilespmem:s18+$0x10] =	vst v0  }
0x1d: {  	[tilespmem:s18+$0x0] =	vst v0  }
0x1e: {  	[tilespmem:s18+$0xFFFFFFF0] =	vst v0  }
0x1f: {  	p5 =	por p0, p0;
	s19 =	simm.s32 $0x0;
	[tilespmem:s18+$0xFFFFFFE0] =	vst v0  }
.LBB2_3:
0x20: {  	s19 =	sadd.s32 $0x8, s19;
	[tilespmem:s18+$0xFFFFFFD0] =	vst v0;
	s18 =	sadd.s32 $0x80, s18;
	s17 =	simm.s32 $0x40  }
0x21: {  	[tilespmem:s18+$0xFFFFFFC0] =	vst v0;
	p0 =	slt.u32 s19, $0xF8  }
0x22: {  	[tilespmem:s18+$0x30] =	vst v0  }
.Ltmp2:
0x23: {  	[tilespmem:s18+$0x20] =	vst v0;
	(pc) =	sbr.rel @p0 .LBB2_3-.Ltmp2, $4  }
0x24: {  	[tilespmem:s18+$0x10] =	vst v0  }
0x25: {  	[tilespmem:s18+$0x0] =	vst v0  }
0x26: {  	[tilespmem:s18+$0xFFFFFFF0] =	vst v0  }
0x27: {  	[tilespmem:s18+$0xFFFFFFE0] =	vst v0  }
0x28: {  	[tilespmem:s18+$0xFFFFFFD0] =	vst v0  }
0x29: {  	v5 =	vld [tilespmem:s17+$0x30]  }
0x2a: {  	v7 =	vld [tilespmem:s17+$0xFFFFFFE0]  }
0x2b: {  	v8 =	vld [tilespmem:s17+$0x0]  }
0x2c: {  	v6 =	vld [tilespmem:s17+$0xFFFFFFC0]  }
0x2d: {  	v10 =	vld [tilespmem:s17+$0x20]  }
0x2e: {  	v11 =	vld [tilespmem:s17+$0xFFFFFFF0];
	_ =	sdelay $0x1  }
0x2f: {  	v9 =	vshra.s32 v7, $0x1F;
	v12 =	vshra.s32 v8, $0x1F;
	v13 =	vshra.s32 v5, $0x1F  }
0x30: {  	v9 =	vor.u32 $0x80000000, v9;
	v14 =	vor.u32 $0x80000000, v12;
	v12 =	vshra.s32 v6, $0x1F  }
0x31: {  	v13 =	vor.u32 $0x80000000, v13;
	v9 =	vxor.u32 v7, v9;
	v7 =	vld [tilespmem:s17+$0x10];
	v8 =	vxor.u32 v8, v14  }
0x32: {  	v14 =	vshra.s32 v10, $0x1F;
	v5 =	vxor.u32 v5, v13;
	v13 =	vshra.s32 v11, $0x1F  }
0x33: {  	v8 =	vshrl.u32 v8, $0x14;
	v14 =	vor.u32 $0x80000000, v14;
	v5 =	vshrl.u32 v5, $0x14  }
0x34: {  	v8 =	vand.u32 $0xFF0, v8;
	v14 =	vxor.u32 v10, v14;
	v15 =	vand.u32 $0xFF0, v5;
	v5 =	vld [tilespmem:s17+$0xFFFFFFD0]  }
0x35: {  	s18 =	simm.s32 $0x0;
	v10 =	vor.u32 v1, v8;
	v8 =	vor.u32 $0x80000000, v13;
	v13 =	vshrl.u32 v14, $0x14  }
0x36: {  	s20 =	simm.s32 $0xC0;
	s19 =	simm.s32 $0x1D3F0;
	s17 =	simm.s32 $0xF;
	v11 =	vxor.u32 v11, v8;
	v8 =	vor.u32 v1, v15;
	v14 =	vshra.s32 v7, $0x1F  }
.LBB2_5:
0x37: {  	v15 =	vld [tilespmem:s20+$0x30];
	s18 =	sadd.s32 $0x8, s18;
	v12 =	vor.u32 $0x80000000, v12;
	v9 =	vshrl.u32 v9, $0x14;
	v14 =	vor.u32 $0x80000000, v14;
	p1 =	por $0x0, $0x0  }
0x38: {  	v16 =	vld [tilespmem:s20+$0xFFFFFFE0];
	p0 =	slt.u32 s18, $0x1C38;
	v6 =	vxor.u32 v6, v12;
	v9 =	vand.u32 $0xFF0, v9;
	v7 =	vxor.u32 v7, v14  }
0x39: {  	v12 =	vshra.s32 v5, $0x1F;
	v14 =	vld [tilespmem:s20+$0x0];
	v17 =	vor.u32 v1, v9;
	v7 =	vshrl.u32 v7, $0x14  }
0x3a: {  	v9 =	vor.u32 $0x80000000, v12;
	[tilespmem:v10+s10+$0x0] =	vst.idx.add.s32.msk $0xffff, v2;
	v7 =	vand.u32 $0xFF0, v7;
	v10 =	vand.u32 $0xFF0, v13  }
0x3b: {  	v12 =	vshrl.u32 v6, $0x14;
	v13 =	vld [tilespmem:s20+$0x20];
	v18 =	vor.u32 v1, v7;
	v10 =	vor.u32 v1, v10  }
0x3c: {  	v11 =	vshrl.u32 v11, $0x14;
	v9 =	vxor.u32 v5, v9;
	v7 =	vand.u32 $0xFF0, v12;
	v6 =	vld [tilespmem:s20+$0xFFFFFFC0]  }
0x3d: {  	v19 =	vor.u32 v1, v7;
	v7 =	vand.u32 $0xFF0, v11;
	v5 =	vld [tilespmem:s20+$0xFFFFFFD0];
	v12 =	vshra.s32 v16, $0x1F  }
0x3e: {  	v9 =	vshrl.u32 v9, $0x14;
	v20 =	vor.u32 v1, v7;
	v11 =	vor.u32 $0x80000000, v12;
	[tilespmem:v8+s10+$0x0] =	vst.idx.add.s32.msk $0xffff, v2  }
0x3f: {  	v21 =	vshra.s32 v15, $0x1F;
	v7 =	vshra.s32 v14, $0x1F;
	v12 =	vand.u32 $0xFF0, v9;
	v8 =	vld [tilespmem:s20+$0xFFFFFFF0]  }
0x40: {  	v9 =	vxor.u32 v16, v11;
	v11 =	vor.u32 $0x80000000, v7;
	v16 =	vor.u32 v1, v12;
	v7 =	vld [tilespmem:s20+$0x10]  }
0x41: {  	v11 =	vxor.u32 v14, v11;
	v14 =	vshra.s32 v13, $0x1F;
	v12 =	vshra.s32 v6, $0x1F;
	[tilespmem:v10+s10+$0x0] =	vst.idx.add.s32.msk $0xffff, v2  }
.Ltmp3:
0x42: {  	v10 =	vshrl.u32 v11, $0x14;
	v11 =	vor.u32 $0x80000000, v14;
	v14 =	vor.u32 $0x80000000, v21;
	[tilespmem:v17+s10+$0x0] =	vst.idx.add.s32.msk $0xffff, v2;
	(pc) =	sbr.rel @p0 .LBB2_5-.Ltmp3, $4  }
0x43: {  	v10 =	vand.u32 $0xFF0, v10;
	v11 =	vxor.u32 v13, v11;
	v13 =	vxor.u32 v15, v14;
	[tilespmem:v18+s10+$0x0] =	vst.idx.add.s32.msk $0xffff, v2  }
0x44: {  	v10 =	vor.u32 v1, v10;
	v15 =	vshrl.u32 v13, $0x14;
	v14 =	vshra.s32 v8, $0x1F;
	[tilespmem:v19+s10+$0x0] =	vst.idx.add.s32.msk $0xffff, v2  }
0x45: {  	v13 =	vshrl.u32 v11, $0x14;
	v15 =	vand.u32 $0xFF0, v15;
	v14 =	vor.u32 $0x80000000, v14;
	[tilespmem:v16+s10+$0x0] =	vst.idx.add.s32.msk $0xffff, v2  }
0x46: {  	s20 =	sadd.s32 $0x80, s20;
	v11 =	vxor.u32 v8, v14;
	v14 =	vshra.s32 v7, $0x1F;
	v8 =	vor.u32 v1, v15;
	[tilespmem:v20+s10+$0x0] =	vst.idx.add.s32.msk $0xffff, v2  }
0x47: {  	_ =	sdelay $0x2  }
0x48: {  	v12 =	vor.u32 $0x80000000, v12;
	v9 =	vshrl.u32 v9, $0x14;
	v14 =	vor.u32 $0x80000000, v14  }
0x49: {  	v58 =	vshra.s32 v5, $0x1F;
	v13 =	vand.u32 $0xFF0, v13;
	[tilespmem:v10+s10+$0x0] =	vst.idx.add.s32.msk $0xffff, v2;
	v10 =	vshrl.u32 v11, $0x14  }
0x4a: {  	v6 =	vxor.u32 v6, v12;
	v9 =	vand.u32 $0xFF0, v9;
	v7 =	vxor.u32 v7, v14  }
0x4b: {  	v12 =	vor.u32 $0x80000000, v58;
	v13 =	vor.u32 v1, v13;
	v10 =	vand.u32 $0xFF0, v10  }
0x4c: {  	v9 =	vor.u32 v1, v9;
	v7 =	vshrl.u32 v7, $0x14;
	v6 =	vshrl.u32 v6, $0x14  }
0x4d: {  	[tilespmem:v8+s10+$0x0] =	vst.idx.add.s32.msk $0xffff, v2;
	v5 =	vxor.u32 v5, v12;
	v8 =	vor.u32 v1, v10;
	v7 =	vand.u32 $0xFF0, v7  }
0x4e: {  	v6 =	vand.u32 $0xFF0, v6;
	v5 =	vshrl.u32 v5, $0x14;
	v7 =	vor.u32 v1, v7  }
0x4f: {  	v6 =	vor.u32 v1, v6;
	v5 =	vand.u32 $0xFF0, v5  }
0x50: {  	v5 =	vor.u32 v1, v5;
	[tilespmem:v13+s10+$0x0] =	vst.idx.add.s32.msk $0xffff, v2  }
0x51: {  	[tilespmem:v9+s10+$0x0] =	vst.idx.add.s32.msk $0xffff, v2  }
0x52: {  	[tilespmem:v8+s10+$0x0] =	vst.idx.add.s32.msk $0xffff, v2  }
0x53: {  	[tilespmem:v7+s10+$0x0] =	vst.idx.add.s32.msk $0xffff, v2  }
0x54: {  	[tilespmem:v6+s10+$0x0] =	vst.idx.add.s32.msk $0xffff, v2  }
0x55: {  	[tilespmem:v5+s10+$0x0] =	vst.idx.add.s32.msk $0xffff, v2  }
0x56: {  	v5 =	vld [tilespmem:s19+$0xFFFFFF10]  }
0x57: {  	v6 =	vld [tilespmem:s19+$0xFFFFFF20]  }
0x58: {  	v7 =	vld [tilespmem:s19+$0xFFFFFF30]  }
0x59: {  	v8 =	vld [tilespmem:s19+$0xFFFFFF40]  }
0x5a: {  	v9 =	vld [tilespmem:s19+$0xFFFFFF50]  }
0x5b: {  	v10 =	vld [tilespmem:s19+$0xFFFFFF60]  }
0x5c: {  	s30 =	simm.s32 $0x1D2F0;
	v11 =	vld [tilespmem:s19+$0xFFFFFF70]  }
0x5d: {  	v59 =	vld [tilespmem:s30+$0xFFFFFF80]  }
0x5e: {  	v13 =	vld [tilespmem:s30+$0xFFFFFF90]  }
0x5f: {  	v60 =	vld [tilespmem:s30+$0xFFFFFFA0]  }
0x60: {  	v15 =	vld [tilespmem:s30+$0xFFFFFFB0]  }
0x61: {  	v5 =	vadd.s32 v5, v6;
	v6 =	vld [tilespmem:s19+$0xFFFFFF80]  }
0x62: {  	v5 =	vadd.s32 v7, v5;
	v7 =	vld [tilespmem:s19+$0xFFFFFF90]  }
0x63: {  	v5 =	vadd.s32 v8, v5;
	v8 =	vld [tilespmem:s19+$0xFFFFFFA0]  }
0x64: {  	v5 =	vadd.s32 v9, v5;
	v9 =	vld [tilespmem:s19+$0xFFFFFFB0]  }
0x65: {  	v5 =	vadd.s32 v10, v5;
	v10 =	vld [tilespmem:s19+$0xFFFFFFC0]  }
0x66: {  	v5 =	vadd.s32 v11, v5;
	v11 =	vld [tilespmem:s19+$0xFFFFFFD0]  }
0x67: {  	v5 =	vadd.s32 v6, v5;
	v6 =	vld [tilespmem:s19+$0xFFFFFFE0]  }
0x68: {  	v5 =	vadd.s32 v7, v5;
	v7 =	vld [tilespmem:s19+$0xFFFFFFF0]  }
0x69: {  	v5 =	vadd.s32 v8, v5;
	v8 =	vld [tilespmem:s19+$0x0]  }
0x6a: {  	v5 =	vadd.s32 v9, v5;
	v9 =	vld [tilespmem:s30+$0xFFFFFF10]  }
0x6b: {  	v5 =	vadd.s32 v10, v5;
	v10 =	vld [tilespmem:s30+$0xFFFFFF20]  }
0x6c: {  	v5 =	vadd.s32 v11, v5;
	v11 =	vld [tilespmem:s30+$0xFFFFFF30]  }
0x6d: {  	v5 =	vadd.s32 v6, v5;
	v6 =	vld [tilespmem:s30+$0xFFFFFF40]  }
0x6e: {  	v5 =	vadd.s32 v7, v5;
	v7 =	vld [tilespmem:s30+$0xFFFFFF50]  }
0x6f: {  	v5 =	vadd.s32 v8, v5;
	v8 =	vld [tilespmem:s30+$0xFFFFFF60]  }
0x70: {  	(xrf0) =	vadd.scan.msk.s32 $0xffff, v5;
	v5 =	vld [tilespmem:s30+$0xFFFFFF70];
	v9 =	vadd.s32 v9, v10  }
0x71: {  	s31 =	simm.s32 $0x1D1F0;
	v16 =	vld [tilespmem:s30+$0xFFFFFFD0];
	v9 =	vadd.s32 v11, v9  }
0x72: {  	v61 =	vld [tilespmem:s31+$0xFFFFFF30];
	v6 =	vadd.s32 v6, v9  }
0x73: {  	v62 =	vld [tilespmem:s31+$0xFFFFFF40];
	v6 =	vadd.s32 v7, v6  }
0x74: {  	v10 =	vld [tilespmem:s30+$0xFFFFFFC0];
	v6 =	vadd.s32 v8, v6  }
0x75: {  	v9 =	vld [tilespmem:s30+$0xFFFFFFE0];
	v5 =	vadd.s32 v5, v6  }
0x76: {  	v6 =	vld [tilespmem:s31+$0xFFFFFF10];
	v11, _, _ =	vpop (xrf0);
	v5 =	vadd.s32 v59, v5  }
0x77: {  	(v2sf) =	vpush v11, $0xF;
	v11 =	vld [tilespmem:s31+$0xFFFFFF20];
	v5 =	vadd.s32 v13, v5  }
0x78: {  	v7 =	vld [tilespmem:s30+$0xFFFFFFF0];
	v5 =	vadd.s32 v60, v5  }
0x79: {  	v8 =	vld [tilespmem:s30+$0x0];
	v5 =	vadd.s32 v15, v5  }
0x7a: {  	v63 =	vld [tilespmem:s31+$0xFFFFFF50];
	v5 =	vadd.s32 v10, v5  }
0x7b: {  	v10 =	vld [tilespmem:s31+$0xFFFFFF60];
	v5 =	vadd.s32 v16, v5  }
0x7c: {  	v6 =	vadd.s32 v6, v11;
	v11 =	vld [tilespmem:s31+$0xFFFFFF70];
	v5 =	vadd.s32 v9, v5  }
0x7d: {  	v9 =	vld [tilespmem:s31+$0xFFFFFF80];
	v6 =	vadd.s32 v61, v6;
	v5 =	vadd.s32 v7, v5  }
0x7e: {  	v7 =	vld [tilespmem:s31+$0xFFFFFF90];
	v6 =	vadd.s32 v62, v6;
	v5 =	vadd.s32 v8, v5  }
0x7f: {  	v8 =	vld [tilespmem:s31+$0xFFFFFFA0];
	v6 =	vadd.s32 v63, v6;
	(xrf0) =	vadd.scan.msk.s32 $0xffff, v5  }
0x80: {  	v5 =	vadd.s32 v10, v6;
	v10 =	vld [tilespmem:s31+$0xFFFFFFB0]  }
0x81: {  	v5 =	vadd.s32 v11, v5  }
0x82: {  	v5 =	vadd.s32 v9, v5  }
0x83: {  	v6 =	vadd.s32 v7, v5  }
0x84: {  	v7 =	vadd.s32 v8, v6  }
0x85: {  	v11 =	vld [tilespmem:s31+$0xFFFFFFC0];
	v8 =	vadd.s32 v10, v7;
	v10, _, _ =	vpop (xrf0)  }
0x86: {  	v9 =	vld [tilespmem:s31+$0xFFFFFFD0];
	s20 =	spop (v2sf);
	(v2sf) =	vpush v10, $0xF  }
0x87: {  	s18 =	simm.s32 $0x0;
	s23 =	simm.s32 $0xE;
	v5 =	vld [tilespmem:s31+$0xFFFFFFE0];
	s22 =	sadd.s32 $0x0, s20  }
0x88: {  	p0 =	por !p1, !p1;
	s24 =	simm.s32 $0x1D0F0;
	v6 =	vld [tilespmem:s31+$0xFFFFFFF0];
	p2 =	sgt.s32 s22, $0x13B  }
0x89: {  	s21 =	simm.s32 $0xC;
	s25 =	simm.s32 $0xB;
	v7 =	vld [tilespmem:s31+$0x0];
	p0 =	por !p2, !p0  }
0x8a: {  	s19 =	simm.s32 $0x0;
	v11 =	vadd.s32 v11, v8;
	v8 =	vld [tilespmem:s24+$0xFFFFFF10];
	s20 =	simm.s32 $0xD;
	p0 =	por !p0, !p0  }
0x8b: {  	v10 =	vld [tilespmem:s24+$0xFFFFFF20];
	v9 =	vadd.s32 v9, v11;
	s19 =	smov.u32 @p0 s17;
	s18 =	smov.u32 @p0 s18;
	s17 =	smov.u32 s22  }
.LBB2_7:
0x8c: {  	p0 =	seq.s32 s25, $0x0;
	v11 =	vld [tilespmem:s24+$0xFFFFFF30];
	v5 =	vadd.s32 v5, v9;
	s26 =	smov.u32 s21;
	s21 =	smov.u32 s25  }
0x8d: {  	v9 =	vld [tilespmem:s24+$0xFFFFFF40];
	v5 =	vadd.s32 v6, v5  }
0x8e: {  	v6 =	vld [tilespmem:s24+$0xFFFFFF50];
	v5 =	vadd.s32 v7, v5  }
0x8f: {  	v7 =	vld [tilespmem:s24+$0xFFFFFF60];
	(xrf0) =	vadd.scan.msk.s32 $0xffff, v5  }
0x90: {  	v5 =	vadd.s32 v8, v10;
	v8 =	vld [tilespmem:s24+$0xFFFFFF70]  }
0x91: {  	v5 =	vadd.s32 v11, v5;
	v10 =	vld [tilespmem:s24+$0xFFFFFF80]  }
0x92: {  	v5 =	vadd.s32 v9, v5;
	v9 =	vld [tilespmem:s24+$0xFFFFFF90]  }
0x93: {  	v5 =	vadd.s32 v6, v5;
	v6 =	vld [tilespmem:s24+$0xFFFFFFA0]  }
0x94: {  	v5 =	vadd.s32 v7, v5;
	v7 =	vld [tilespmem:s24+$0xFFFFFFB0]  }
0x95: {  	v5 =	vadd.s32 v8, v5;
	v11 =	vld [tilespmem:s24+$0xFFFFFFC0];
	v8, _, _ =	vpop (xrf0);
	s28 =	spop (v2sf)  }
0x96: {  	p1 =	por p1, p2;
	v5 =	vadd.s32 v10, v5;
	v12 =	vld [tilespmem:s24+$0xFFFFFFD0];
	(v2sf) =	vpush v8, $0xF;
	s22 =	sadd.s32 s22, s28  }
.Ltmp4:
0x97: {  	p3 =	por !p1, !p1;
	v8 =	vadd.s32 v9, v5;
	v5 =	vld [tilespmem:s24+$0xFFFFFFE0];
	p2 =	sgt.s32 s22, $0x13B;
	(pc) =	sbr.rel @!p0 .LBB2_7-.Ltmp4, $4  }
0x98: {  	v8 =	vadd.s32 v6, v8;
	v6 =	vld [tilespmem:s24+$0xFFFFFFF0];
	p3 =	por !p2, !p3  }
0x99: {  	v9 =	vadd.s32 v7, v8;
	v7 =	vld [tilespmem:s24+$0x0];
	s24 =	sadd.s32 $0xFFFFFF00, s24;
	p3 =	por !p3, !p3  }
0x9a: {  	v8 =	vld [tilespmem:s24+$0xFFFFFF10];
	v9 =	vadd.s32 v11, v9;
	s19 =	smov.u32 @p3 s23;
	s18 =	smov.u32 @p3 s17;
	s17 =	smov.u32 s22  }
0x9b: {  	s25 =	sadd.s32 $0xFFFFFFFF, s25;
	s23 =	smov.u32 s20;
	s20 =	smov.u32 s26;
	v10 =	vld [tilespmem:s24+$0xFFFFFF20];
	v9 =	vadd.s32 v12, v9  }
0x9c: {  	v11 =	vld [tilespmem:s24+$0xFFFFFF30]  }
0x9d: {  	v12 =	vld [tilespmem:s24+$0xFFFFFF40]  }
0x9e: {  	v13 =	vld [tilespmem:s24+$0xFFFFFF50]  }
0x9f: {  	v14 =	vld [tilespmem:s24+$0xFFFFFF60]  }
0xa0: {  	v54 =	vld [tilespmem:s24+$0xFFFFFF70];
	v8 =	vadd.s32 v8, v10  }
0xa1: {  	v55 =	vld [tilespmem:s24+$0xFFFFFF80];
	v8 =	vadd.s32 v11, v8  }
0xa2: {  	v56 =	vld [tilespmem:s24+$0xFFFFFF90];
	v8 =	vadd.s32 v12, v8  }
0xa3: {  	v57 =	vld [tilespmem:s24+$0xFFFFFFA0];
	v8 =	vadd.s32 v13, v8  }
0xa4: {  	v58 =	vld [tilespmem:s24+$0xFFFFFFB0];
	v8 =	vadd.s32 v14, v8  }
0xa5: {  	v59 =	vld [tilespmem:s24+$0xFFFFFFC0];
	v8 =	vadd.s32 v54, v8  }
0xa6: {  	v60 =	vld [tilespmem:s24+$0xFFFFFFD0];
	v8 =	vadd.s32 v55, v8  }
0xa7: {  	v61 =	vld [tilespmem:s24+$0xFFFFFFE0];
	v8 =	vadd.s32 v56, v8  }
0xa8: {  	v62 =	vld [tilespmem:s24+$0xFFFFFFF0];
	v8 =	vadd.s32 v57, v8  }
0xa9: {  	v63 =	vld [tilespmem:s24+$0x0];
	v8 =	vadd.s32 v58, v8  }
0xaa: {  	v5 =	vadd.s32 v5, v9;
	v8 =	vadd.s32 v59, v8  }
0xab: {  	v5 =	vadd.s32 v6, v5;
	v6 =	vadd.s32 v60, v8  }
0xac: {  	v5 =	vadd.s32 v7, v5;
	v6 =	vadd.s32 v61, v6  }
0xad: {  	(xrf0) =	vadd.scan.msk.s32 $0xffff, v5;
	v5 =	vadd.s32 v62, v6  }
0xae: {  	v5 =	vadd.s32 v63, v5  }
0xaf: {  	(xrf0) =	vadd.scan.msk.s32 $0xffff, v5;
	_ =	sdelay $0x3  }
0xb0: {  	v5, _, _ =	vpop (xrf0)  }
0xb1: {  	(v2sf) =	vpush v5, $0xF  }
0xb2: {  	v5, _, _ =	vpop (xrf0)  }
0xb3: {  	(v2sf) =	vpush v5, $0xF;
	_ =	sdelay $0x8  }
0xb4: {  	s25 =	spop (v2sf)  }
0xb5: {  	p0 =	por p1, p2;
	s22 =	sadd.s32 s22, s25  }
0xb6: {  	p1 =	por !p0, !p0;
	p3 =	sgt.s32 s22, $0x13B  }
0xb7: {  	p1 =	por !p3, !p1  }
0xb8: {  	p1 =	por !p1, !p1;
	s26 =	spop (v2sf)  }
0xb9: {  	s19 =	smov.u32 @p1 s23;
	s23 =	sadd.s32 s22, s26  }
0xba: {  	p0 =	por p0, p3;
	p4 =	sgt.s32 s23, $0x13B;
	s28 =	spop (v2sf)  }
0xbb: {  	p3 =	por !p0, !p0;
	p0 =	por p0, p4;
	s24 =	sadd.s32 s23, s28  }
0xbc: {  	p2 =	por !p4, !p3;
	p0 =	por !p0, !p0;
	p6 =	sgt.s32 s24, $0x13B  }
0xbd: {  	s18 =	smov.u32 @p1 s17;
	p1 =	por !p2, !p2;
	p0 =	por !p6, !p0  }
0xbe: {  	s19 =	smov.u32 @p1 s20;
	p0 =	por !p0, !p0  }
0xbf: {  	s19 =	smov.u32 @p0 s21  }
0xc0: {  	s29 =	sshll.u32 s19, $0xA  }
0xc1: {  	s17 =	sshra.s32 s29, $0x2  }
0xc2: {  	s18 =	smov.u32 @p1 s22;
	s30 =	sadd.s32 $0x1C400, s17  }
0xc3: {  	s18 =	smov.u32 @p0 s23;
	p0 =	por $0x0, $0x0;
	v6 =	vmov s30  }
.Ltmp5:
0xc4: {  	_ = 	snop;
	(pc) =	sbr.rel @p0 .LBB2_9-.Ltmp5, $4  }
0xc5: {  	_ = 	snop  }
0xc6: {  	s31 =	simm.s32 $0xF0;
	s20 =	simm.s32 @!p5 $0x0  }
0xc7: {  	p3 =	por $0x0, $0x0;
	p1 =	por $0x0, $0x0;
	s20 =	simm.s32 @p5 $0x1  }
0xc8: {  	[smem:$0x7FD] =	sst s20;
	s19 =	sshllo.u32 s19, $0x4;
	s17 =	simm.s32 $0x0;
	v5 =	vld.idx.msk [tilespmem:v6+s31+$0x0 ss:$0x1], $0xffff  }
0xc9: {  	p0 =	por $0x0, $0x0  }
.Ltmp6:
0xca: {  	_ = 	snop;
	(pc) =	sbr.rel @p0 .LBB2_11-.Ltmp6, $3  }
0xcb: {  	_ =	sdelay $0x1  }
0xcc: {  	s20 =	simm.s32 $0xE0  }
0xcd: {  	v7 =	vld.idx.msk [tilespmem:v6+s20+$0x0 ss:$0x1], $0xffff;
	(xrf0) =	vadd.scan.msk.s32 $0xffff, v5  }
0xce: {  	_ = 	snop  }
0xcf: {  	p0 =	por $0x0, $0x0  }
.Ltmp7:
0xd0: {  	_ = 	snop;
	(pc) =	sbr.rel @p0 .LBB2_13-.Ltmp7, $3  }
0xd1: {  	_ =	sdelay $0x1  }
0xd2: {  	s20 =	simm.s32 $0xD0;
	v8, _, _ =	vpop (xrf0)  }
0xd3: {  	v5 =	vld.idx.msk [tilespmem:v6+s20+$0x0 ss:$0x1], $0xffff;
	(xrf0) =	vadd.scan.msk.s32 $0xffff, v7;
	(v2sf) =	vpush v8, $0xF  }
0xd4: {  	p0 =	por $0x1, $0x1  }
0xd5: {  	s20 =	simm.s32 @!p0 $0x0  }
0xd6: {  	s20 =	simm.s32 @p0 $0x1;
	p0 =	por $0x0, $0x0  }
.Ltmp8:
0xd7: {  	_ = 	snop;
	(pc) =	sbr.rel @p0 .LBB2_15-.Ltmp8, $3  }
0xd8: {  	_ =	sdelay $0x1  }
0xd9: {  	s31 =	simm.s32 $0xC0;
	v8, _, _ =	vpop (xrf0)  }
0xda: {  	v7 =	vld.idx.msk [tilespmem:v6+s31+$0x0 ss:$0x1], $0xffff;
	[smem:$0x7FB] =	sst s20;
	(xrf0) =	vadd.scan.msk.s32 $0xffff, v5;
	(v2sf) =	vpush v8, $0xF  }
0xdb: {  	_ =	sdelay $0x4  }
0xdc: {  	v8, _, _ =	vpop (xrf0)  }
0xdd: {  	(v2sf) =	vpush v8, $0xF;
	_ =	sdelay $0x2  }
0xde: {  	p0 =	por $0x0, $0x0  }
.Ltmp9:
0xdf: {  	_ = 	snop;
	(pc) =	sbr.rel @p0 .LBB2_17-.Ltmp9, $4  }
0xe0: {  	s20 =	simm.s32 $0xB0;
	p3 =	por $0x1, $0x1  }
0xe1: {  	v5 =	vld.idx.msk [tilespmem:v6+s20+$0x0 ss:$0x1], $0xffff;
	s20 =	simm.s32 @!p3 $0x0  }
0xe2: {  	s20 =	simm.s32 @p3 $0x1  }
0xe3: {  	[smem:$0x7FC] =	sst s20;
	(xrf0) =	vadd.scan.msk.s32 $0xffff, v7;
	s22 =	spop (v2sf)  }
0xe4: {  	_ =	sdelay $0x4  }
0xe5: {  	v7, _, _ =	vpop (xrf0)  }
0xe6: {  	p0 =	por $0x1, $0x1;
	(v2sf) =	vpush v7, $0xF  }
0xe7: {  	p6 =	por !p1, !p1;
	s20 =	simm.s32 @!p0 $0x0  }
0xe8: {  	s21 =	simm.s32 $0xA0;
	p5 =	por $0x0, $0x0;
	s20 =	simm.s32 @p0 $0x1  }
.Ltmp10:
0xe9: {  	[smem:$0x7F9] =	sst s20;
	s20 =	sadd.s32 s18, s22;
	(pc) =	sbr.rel @p5 .LBB2_19-.Ltmp10, $4  }
0xea: {  	s25 =	smov.u32 s18;
	s28 =	simm.s32 $0x240;
	p1 =	sgt.s32 s20, $0x13B;
	(xrf0) =	vadd.scan.msk.s32 $0xffff, v5  }
0xeb: {  	s24 =	spop (v2sf);
	p3 =	por $0x1, $0x1;
	p0 =	por !p1, !p6;
	v5 =	vld.idx.msk [tilespmem:v6+s21+$0x0 ss:$0x1], $0xffff  }
0xec: {  	s23 =	simm.s32 $0x0;
	s26 =	smov.u32 s20;
	p0 =	por !p0, !p0  }
0xed: {  	s21 =	smov.u32 s19;
	p6 =	por $0x0, $0x0;
	s25 =	smov.u32 @p0 s18  }
.LBB2_20:
0xee: {  	s29 =	sshra.s32 s28, $0x2  }
0xef: {  	s20 =	sadd.s32 s20, s24;
	s23 =	smov.u32 @p0 s21;
	p5 =	seq.s32 s28, $0x0  }
.Ltmp11:
0xf0: {  	s28 =	sadd.s32 $0xFFFFFFC0, s28;
	p6 =	por p6, p1;
	(xrf0) =	vadd.scan.msk.s32 $0xffff, v5;
	v5 =	vld.idx.msk [tilespmem:v6+s29+$0x0 ss:$0x1], $0xffff;
	v7, _, _ =	vpop (xrf0);
	(pc) =	sbr.rel @!p5 .LBB2_20-.Ltmp11, $4  }
0xf1: {  	p0 =	por !p6, !p6;
	p1 =	sgt.s32 s20, $0x13B;
	s29 =	smov.u32 s26;
	(v2sf) =	vpush v7, $0xF  }
0xf2: {  	s26 =	smov.u32 s20;
	p0 =	por !p1, !p0  }
0xf3: {  	p0 =	por !p0, !p0;
	_ =	sdelay $0x1  }
0xf4: {  	s21 =	sadd.s32 $0xFFFFFFFF, s21;
	s25 =	smov.u32 @p0 s29;
	s24 =	spop (v2sf)  }
0xf5: {  	p2 =	por $0x1, $0x1  }
0xf6: {  	s28 =	simm.s32 @!p2 $0x0  }
0xf7: {  	s28 =	simm.s32 @p2 $0x1  }
0xf8: {  	[smem:$0x7FA] =	sst s28  }
.LBB2_22:
0xf9: {  	s28 =	sld [smem:$0x7FC];
	_ =	sdelay $0x1  }
0xfa: {  	p2 =	por p3, p3  }
0xfb: {  	p5 =	por @p3 p6, p1;
	p0 =	por !p0, !p2;
	p3 =	seq.s32 s28, $0x1  }
0xfc: {  	s20 =	sadd.s32 @p3 s20, s24;
	s24 =	simm.s32 @!p0 $0x0  }
0xfd: {  	p1 =	por $0x0, $0x0;
	s29 =	sld [smem:$0x7FA];
	s24 =	simm.s32 @p0 $0x1  }
0xfe: {  	p5 =	por @!p2 p1, p1;
	[smem:$0x7F4] =	sst s24  }
0xff: {  	p1 =	por @p3 !p5, !p5;
	p6 =	sgt.s32 @p3 s20, $0x13B;
	s31 =	sld [smem:$0x7F4]  }
0x100: {  	s30 =	sld [smem:$0x7F9];
	p1 =	por @p3 !p6, !p1;
	s24 =	smov.u32 s21  }
0x101: {  	p6 =	por @!p3 p0, p0;
	s21 =	sadd.s32 @p2 $0xFFFFFFFF, s21;
	p1 =	por @p3 !p1, !p1  }
0x102: {  	p6 =	por @p3 p5, p6;
	p4 =	por !p1, !p3;
	p0 =	seq.s32 s31, $0x1  }
0x103: {  	s24 =	smov.u32 @p0 s23;
	s23 =	smov.u32 s18;
	p0 =	seq.s32 s30, $0x1  }
0x104: {  	s26 =	smov.u32 @p4 s25;
	s23 =	smov.u32 @p3 s20;
	s20 =	spop @p0 (v2sf)  }
0x105: {  	s25 =	smov.u32 s19;
	s22 =	smov.u32 @p0 s20;
	s20 =	simm.s32 $0x0  }
0x106: {  	s25 =	smov.u32 @p2 s21;
	s20 =	smov.u32 @p2 s24;
	p2 =	por $0x0, $0x0  }
0x107: {  	p1 =	por @!p3 p0, p0;
	s21 =	sadd.s32 @p0 s23, s22;
	p6 =	por @!p3 p2, p2  }
0x108: {  	p1 =	por !p1, !p3;
	p5 =	sgt.s32 @p0 s21, $0x13B;
	p2 =	por @p0 !p6, !p6  }
0x109: {  	s22 =	smov.u32 @p0 s23;
	s24 =	simm.s32 @!p1 $0x0;
	p2 =	por @p0 !p5, !p2  }
0x10a: {  	s23 =	smov.u32 s18;
	s24 =	simm.s32 @p1 $0x1;
	p1 =	por @p0 !p2, !p2  }
0x10b: {  	s23 =	smov.u32 @p0 s22;
	s22 =	smov.u32 s18;
	p2 =	por !p1, !p0  }
0x10c: {  	s22 =	smov.u32 @p3 s26;
	[smem:$0x7F5] =	sst s24;
	s26 =	simm.s32 @!p2 $0x0  }
0x10d: {  	s31 =	sld [smem:$0x7F5];
	s26 =	simm.s32 @p2 $0x1  }
0x10e: {  	[smem:$0x7F6] =	sst s26  }
0x10f: {  	p4 =	seq.s32 s29, $0x1;
	s26 =	sld [smem:$0x7F6]  }
0x110: {  	s28 =	sld [smem:$0x7FB];
	v6, _, _ =	vpop @p4 (xrf0);
	s24 =	smov.u32 s25;
	p1 =	por @!p0 p0, p0  }
0x111: {  	(v2sf) =	vpush @p4 v6, $0xF;
	p5 =	por @!p0 p0, p0;
	p1 =	por !p1, !p0;
	p2 =	seq.s32 s31, $0x1  }
0x112: {  	(xrf0) =	vadd.scan.msk.s32 $0xffff, v5;
	s24 =	smov.u32 @p2 s20;
	s20 =	smov.u32 s18;
	p2 =	seq.s32 s26, $0x1  }
0x113: {  	s20 =	smov.u32 @p0 s21;
	s23 =	smov.u32 @p2 s22;
	p2 =	por @p0 p6, p5  }
0x114: {  	p6 =	seq.s32 s28, $0x1;
	s22 =	sadd.s32 @p3 $0xFFFFFFFF, s25;
	s25 =	smov.u32 s19  }
0x115: {  	p5 =	por $0x0, $0x0;
	s21 =	spop @p6 (v2sf);
	s26 =	smov.u32 @p6 s20  }
0x116: {  	s25 =	smov.u32 @p3 s22;
	s22 =	simm.s32 $0x0;
	s21 =	smov.u32 @p6 s21  }
0x117: {  	p2 =	por @!p0 p5, p5;
	s22 =	smov.u32 @p3 s24;
	s20 =	sadd.s32 @p6 s20, s21  }
0x118: {  	v5, _, _ =	vpop (xrf0);
	p3 =	por @p6 !p2, !p2;
	s24 =	smov.u32 s18;
	p5 =	sgt.s32 @p6 s20, $0x13B  }
0x119: {  	(v2sf) =	vpush v5, $0xF;
	s24 =	smov.u32 @p0 s23;
	s23 =	simm.s32 @!p1 $0x0;
	p3 =	por @p6 !p5, !p3  }
0x11a: {  	s23 =	simm.s32 @p1 $0x1;
	p1 =	por @p6 !p3, !p3  }
0x11b: {  	[smem:$0x7F7] =	sst s23;
	s23 =	smov.u32 s18;
	p3 =	por !p1, !p6  }
0x11c: {  	s23 =	smov.u32 @p6 s20;
	s29 =	sld [smem:$0x7F7];
	s20 =	simm.s32 @!p3 $0x0  }
0x11d: {  	s20 =	simm.s32 @p3 $0x1  }
0x11e: {  	s21 =	smov.u32 @p6 s26;
	s26 =	smov.u32 s25;
	[smem:$0x7F8] =	sst s20  }
0x11f: {  	p5 =	por @!p6 p0, p0;
	p3 =	seq.s32 s29, $0x1;
	s30 =	sld [smem:$0x7F8]  }
0x120: {  	s26 =	smov.u32 @p3 s22;
	s20 =	smov.u32 @p4 s23;
	s22 =	spop @p4 (v2sf)  }
0x121: {  	p1 =	por @!p6 p0, p0;
	s22 =	smov.u32 @p4 s22;
	s20 =	smov.u32 @p4 s20  }
0x122: {  	s22 =	sadd.s32 @p4 s23, s22;
	s23 =	smov.u32 s18;
	p3 =	seq.s32 s30, $0x1  }
0x123: {  	s21 =	smov.u32 @p3 s24;
	s24 =	sadd.s32 @p0 $0xFFFFFFFF, s25;
	s25 =	smov.u32 s19  }
0x124: {  	p3 =	por @p6 p2, p5;
	p2 =	por $0x0, $0x0;
	s25 =	smov.u32 @p0 s24  }
0x125: {  	s24 =	simm.s32 $0x0;
	p3 =	por @!p6 p2, p2;
	p2 =	sgt.s32 @p4 s22, $0x13B  }
0x126: {  	s23 =	smov.u32 @p6 s21;
	s24 =	smov.u32 @p0 s26;
	p5 =	por @p4 !p3, !p3  }
0x127: {  	p0 =	por !p1, !p6;
	s21 =	smov.u32 s25;
	p5 =	por @p4 !p2, !p5  }
0x128: {  	s31 =	spop (v2sf);
	s21 =	smov.u32 @p0 s24;
	p1 =	por @p4 !p5, !p5  }
0x129: {  	s24 =	smov.u32 s19;
	p2 =	por @!p4 p0, p0;
	p5 =	por !p1, !p4  }
0x12a: {  	s20 =	smov.u32 @p5 s23;
	s23 =	sadd.s32 @p6 $0xFFFFFFFF, s25;
	s25 =	simm.s32 $0x0  }
0x12b: {  	p0 =	por @p4 p3, p2;
	s25 =	smov.u32 @p6 s21;
	s21 =	smov.u32 s18  }
0x12c: {  	p2 =	por $0x0, $0x0;
	p1 =	por @!p4 p0, p0;
	s21 =	smov.u32 @p4 s22  }
0x12d: {  	p0 =	por @!p4 p2, p2;
	p1 =	por !p1, !p4;
	s22 =	sadd.s32 s21, s31  }
0x12e: {  	p0 =	por !p0, !p0;
	s24 =	smov.u32 @p6 s23;
	p6 =	sgt.s32 s22, $0x13B  }
0x12f: {  	s22 =	sadd.s32 @p4 $0xFFFFFFFF, s24;
	s24 =	smov.u32 @p1 s25;
	p0 =	por !p6, !p0  }
0x130: {  	s19 =	smov.u32 @p4 s22;
	s17 =	smov.u32 @p4 s24;
	p0 =	por !p0, !p0  }
0x131: {  	s17 =	smov.u32 @p0 s19;
	s19 =	simm.s32 $0x1C440  }
0x132: {  	[tilespmem:s19+$0xFFFFFFC0] =	vst v0  }
0x133: {  	[tilespmem:s19+$0x30] =	vst v0  }
0x134: {  	[tilespmem:s19+$0x20] =	vst v0  }
0x135: {  	[tilespmem:s19+$0x10] =	vst v0  }
0x136: {  	[tilespmem:s19+$0x0] =	vst v0  }
0x137: {  	s18 =	smov.u32 @p4 s20;
	[tilespmem:s19+$0xFFFFFFF0] =	vst v0  }
0x138: {  	s20 =	simm.s32 $0x0;
	s18 =	smov.u32 @p0 s21;
	[tilespmem:s19+$0xFFFFFFE0] =	vst v0  }
.LBB2_23:
0x139: {  	s20 =	sadd.s32 $0x8, s20;
	[tilespmem:s19+$0xFFFFFFD0] =	vst v0;
	s19 =	sadd.s32 $0x80, s19  }
0x13a: {  	[tilespmem:s19+$0xFFFFFFC0] =	vst v0;
	p0 =	slt.u32 s20, $0xF8  }
0x13b: {  	[tilespmem:s19+$0x30] =	vst v0  }
.Ltmp12:
0x13c: {  	[tilespmem:s19+$0x20] =	vst v0;
	(pc) =	sbr.rel @p0 .LBB2_23-.Ltmp12, $4  }
0x13d: {  	[tilespmem:s19+$0x10] =	vst v0  }
0x13e: {  	[tilespmem:s19+$0x0] =	vst v0  }
0x13f: {  	[tilespmem:s19+$0xFFFFFFF0] =	vst v0  }
0x140: {  	[tilespmem:s19+$0xFFFFFFE0] =	vst v0  }
0x141: {  	[tilespmem:s19+$0xFFFFFFD0] =	vst v0;
	s31 =	simm.s32 $0x40  }
0x142: {  	v6 =	vld [tilespmem:s31+$0x30]  }
0x143: {  	v7 =	vld [tilespmem:s31+$0xFFFFFFD0]  }
0x144: {  	v8 =	vld [tilespmem:s31+$0xFFFFFFE0]  }
0x145: {  	v10 =	vld [tilespmem:s31+$0x0]  }
0x146: {  	v15 =	vld [tilespmem:s31+$0xFFFFFFC0];
	_ =	sdelay $0x1  }
0x147: {  	v9 =	vld [tilespmem:s31+$0xFFFFFFF0]  }
0x148: {  	v5 =	vmov s17  }
0x149: {  	v12 =	vshra.s32 v6, $0x1F;
	v13 =	vshra.s32 v7, $0x1F;
	v16 =	vshra.s32 v8, $0x1F  }
0x14a: {  	v11 =	vld [tilespmem:s31+$0x10];
	v18 =	vshra.s32 v10, $0x1F;
	v19 =	vshra.s32 v15, $0x1F;
	v12 =	vor.u32 $0x80000000, v12  }
0x14b: {  	v14 =	vld [tilespmem:s31+$0x20];
	v13 =	vor.u32 $0x80000000, v13;
	v16 =	vor.u32 $0x80000000, v16;
	v19 =	vor.u32 $0x80000000, v19  }
0x14c: {  	v6 =	vxor.u32 v6, v12;
	v12 =	vshra.s32 v9, $0x1F;
	v13 =	vxor.u32 v7, v13  }
0x14d: {  	v8 =	vxor.u32 v8, v16;
	v17 =	vshrl.u32 v6, $0x18;
	v6 =	vshrl.u32 v6, $0xC  }
0x14e: {  	v15 =	vxor.u32 v15, v19;
	v16 =	vshrl.u32 v13, $0xC;
	v6 =	vand.u32 $0xFF0, v6  }
0x14f: {  	vm0 =	veq.s32 v17, v5;
	v17 =	vshra.s32 v11, $0x1F;
	v20 =	vor.u32 v1, v6  }
0x150: {  	v6 =	vor.u32 $0x80000000, v12;
	v12 =	vor.u32 $0x80000000, v18;
	v18 =	vshra.s32 v14, $0x1F  }
0x151: {  	v19 =	vshrl.u32 v15, $0x18;
	v17 =	vor.u32 $0x80000000, v17;
	v18 =	vor.u32 $0x80000000, v18  }
0x152: {  	v9 =	vxor.u32 v9, v6;
	v10 =	vxor.u32 v10, v12;
	v12 =	vshrl.u32 v15, $0xC  }
0x153: {  	v11 =	vxor.u32 v11, v17;
	v17 =	vshrl.u32 v8, $0xC;
	v15 =	vshrl.u32 v13, $0x18  }
0x154: {  	v6 =	vxor.u32 v14, v18;
	v21 =	vshrl.u32 v9, $0xC;
	v22 =	vshrl.u32 v10, $0xC  }
0x155: {  	s19 =	sld [smem:$0x7FD];
	v23 =	vshrl.u32 v11, $0xC;
	v14 =	vand.u32 $0xFF0, v12;
	v18 =	vand.u32 $0xFF0, v16  }
0x156: {  	v12 =	vshrl.u32 v8, $0x18;
	v13 =	vand.u32 $0xFF0, v17;
	v16 =	vshrl.u32 v9, $0x18  }
0x157: {  	v10 =	vshrl.u32 v10, $0x18;
	v11 =	vshrl.u32 v11, $0x18;
	v7 =	vshrl.u32 v6, $0xC  }
0x158: {  	s20 =	simm.s32 $0xC0;
	p4 =	seq.s32 s19, $0x1;
	s19 =	simm.s32 $0x0;
	v9 =	vand.u32 $0xFF0, v21;
	v17 =	vand.u32 $0xFF0, v22;
	v8 =	vand.u32 $0xFF0, v23;
	[tilespmem:v20+s10+$0x0] =	vst.idx.add.s32.msk vm0, v2  }
.LBB2_25:
0x159: {  	v20 =	vld [tilespmem:s20+$0x30];
	s19 =	sadd.s32 $0x8, s19;
	vm4 =	veq.s32 v19, v5;
	v6 =	vshrl.u32 v6, $0x18;
	v7 =	vand.u32 $0xFF0, v7  }
0x15a: {  	v14 =	vor.u32 v1, v14;
	vm6 =	veq.s32 v15, v5;
	v15 =	vor.u32 v1, v18;
	v19 =	vld [tilespmem:s20+$0xFFFFFFD0];
	p0 =	slt.u32 s19, $0x1C38  }
0x15b: {  	vm5 =	veq.s32 v12, v5;
	v12 =	vor.u32 v1, v13;
	vm3 =	veq.s32 v16, v5;
	v18 =	vld [tilespmem:s20+$0xFFFFFFE0]  }
0x15c: {  	v9 =	vor.u32 v1, v9;
	vm2 =	veq.s32 v10, v5;
	v10 =	vor.u32 v1, v17;
	v13 =	vld [tilespmem:s20+$0xFFFFFFF0]  }
0x15d: {  	vm1 =	veq.s32 v11, v5;
	v8 =	vor.u32 v1, v8;
	vm0 =	veq.s32 v6, v5;
	v16 =	vld [tilespmem:s20+$0x0]  }
0x15e: {  	v7 =	vor.u32 v1, v7;
	v6 =	vld [tilespmem:s20+$0x10];
	v11 =	vshra.s32 v20, $0x1F  }
0x15f: {  	v17 =	vshra.s32 v19, $0x1F;
	v21 =	vld [tilespmem:s20+$0x20];
	v11 =	vor.u32 $0x80000000, v11  }
0x160: {  	v22 =	vld [tilespmem:s20+$0xFFFFFFC0];
	v17 =	vor.u32 $0x80000000, v17;
	v23 =	vshra.s32 v18, $0x1F;
	v11 =	vxor.u32 v20, v11  }
0x161: {  	v20 =	vshra.s32 v13, $0x1F;
	v24 =	vshrl.u32 v11, $0x18;
	v11 =	vshrl.u32 v11, $0xC;
	[tilespmem:v14+s10+$0x0] =	vst.idx.add.s32.msk vm4, v2  }
0x162: {  	v14 =	vshra.s32 v16, $0x1F;
	vm4 =	veq.s32 v24, v5;
	v11 =	vand.u32 $0xFF0, v11;
	[tilespmem:v15+s10+$0x0] =	vst.idx.add.s32.msk vm6, v2  }
0x163: {  	v15 =	vor.u32 $0x80000000, v23;
	v23 =	vshra.s32 v6, $0x1F;
	v11 =	vor.u32 v1, v11;
	[tilespmem:v12+s10+$0x0] =	vst.idx.add.s32.msk vm5, v2  }
0x164: {  	v12 =	vor.u32 $0x80000000, v20;
	v14 =	vor.u32 $0x80000000, v14;
	v20 =	vshra.s32 v21, $0x1F;
	[tilespmem:v9+s10+$0x0] =	vst.idx.add.s32.msk vm3, v2  }
0x165: {  	v23 =	vor.u32 $0x80000000, v23;
	v9 =	vshra.s32 v22, $0x1F;
	v20 =	vor.u32 $0x80000000, v20;
	[tilespmem:v10+s10+$0x0] =	vst.idx.add.s32.msk vm2, v2  }
0x166: {  	v10 =	vxor.u32 v19, v17;
	v17 =	vxor.u32 v18, v15;
	v9 =	vor.u32 $0x80000000, v9;
	[tilespmem:v8+s10+$0x0] =	vst.idx.add.s32.msk vm1, v2  }
0x167: {  	v8 =	vxor.u32 v22, v9;
	v9 =	vxor.u32 v13, v12;
	v22 =	vxor.u32 v16, v14  }
0x168: {  	v23 =	vxor.u32 v6, v23;
	v6 =	vxor.u32 v21, v20;
	v12 =	vshrl.u32 v8, $0xC;
	[tilespmem:v11+s10+$0x0] =	vst.idx.add.s32.msk vm4, v2  }
0x169: {  	v13 =	vshrl.u32 v17, $0xC;
	v11 =	vshrl.u32 v10, $0xC;
	v20 =	vshrl.u32 v9, $0xC;
	[tilespmem:v7+s10+$0x0] =	vst.idx.add.s32.msk vm0, v2  }
.Ltmp13:
0x16a: {  	v24 =	vshrl.u32 v23, $0xC;
	v21 =	vshrl.u32 v22, $0xC;
	v7 =	vshrl.u32 v6, $0xC;
	(pc) =	sbr.rel @p0 .LBB2_25-.Ltmp13, $4  }
0x16b: {  	v15 =	vshrl.u32 v10, $0x18;
	v19 =	vshrl.u32 v8, $0x18;
	v14 =	vand.u32 $0xFF0, v12  }
0x16c: {  	v13 =	vand.u32 $0xFF0, v13;
	v18 =	vand.u32 $0xFF0, v11;
	v12 =	vshrl.u32 v17, $0x18  }
0x16d: {  	v16 =	vshrl.u32 v9, $0x18;
	v10 =	vshrl.u32 v22, $0x18;
	v9 =	vand.u32 $0xFF0, v20  }
0x16e: {  	s20 =	sadd.s32 $0x80, s20;
	v8 =	vand.u32 $0xFF0, v24;
	v17 =	vand.u32 $0xFF0, v21;
	v11 =	vshrl.u32 v23, $0x18  }
0x16f: {  	vm0 =	veq.s32 v19, v5  }
0x170: {  	v14 =	vor.u32 v1, v14;
	vm1 =	veq.s32 v15, v5  }
0x171: {  	v57 =	vor.u32 v1, v18;
	vm2 =	veq.s32 v12, v5  }
0x172: {  	v58 =	vor.u32 v1, v13;
	vm3 =	veq.s32 v16, v5  }
0x173: {  	v9 =	vor.u32 v1, v9;
	vm4 =	veq.s32 v10, v5  }
0x174: {  	v6 =	vshrl.u32 v6, $0x18;
	v10 =	vor.u32 v1, v17;
	vm5 =	veq.s32 v11, v5  }
0x175: {  	v7 =	vand.u32 $0xFF0, v7;
	v8 =	vor.u32 v1, v8;
	vm6 =	veq.s32 v6, v5;
	[tilespmem:v14+s10+$0x0] =	vst.idx.add.s32.msk vm0, v2  }
0x176: {  	v5 =	vor.u32 v1, v7;
	[tilespmem:v57+s10+$0x0] =	vst.idx.add.s32.msk vm1, v2  }
0x177: {  	[tilespmem:v58+s10+$0x0] =	vst.idx.add.s32.msk vm2, v2  }
0x178: {  	[tilespmem:v9+s10+$0x0] =	vst.idx.add.s32.msk vm3, v2  }
0x179: {  	[tilespmem:v10+s10+$0x0] =	vst.idx.add.s32.msk vm4, v2  }
0x17a: {  	[tilespmem:v8+s10+$0x0] =	vst.idx.add.s32.msk vm5, v2  }
0x17b: {  	s20 =	simm.s32 $0x1D3F0;
	[tilespmem:v5+s10+$0x0] =	vst.idx.add.s32.msk vm6, v2  }
0x17c: {  	v5 =	vld [tilespmem:s20+$0xFFFFFF10]  }
0x17d: {  	v6 =	vld [tilespmem:s20+$0xFFFFFF20]  }
0x17e: {  	v7 =	vld [tilespmem:s20+$0xFFFFFF30]  }
0x17f: {  	v8 =	vld [tilespmem:s20+$0xFFFFFF40]  }
0x180: {  	v9 =	vld [tilespmem:s20+$0xFFFFFF50]  }
0x181: {  	v10 =	vld [tilespmem:s20+$0xFFFFFF60]  }
0x182: {  	s30 =	simm.s32 $0x1D2F0;
	v11 =	vld [tilespmem:s20+$0xFFFFFF70]  }
0x183: {  	v12 =	vld [tilespmem:s30+$0xFFFFFF80]  }
0x184: {  	v59 =	vld [tilespmem:s30+$0xFFFFFF90]  }
0x185: {  	v14 =	vld [tilespmem:s30+$0xFFFFFFA0]  }
0x186: {  	v15 =	vld [tilespmem:s30+$0xFFFFFFB0]  }
0x187: {  	v5 =	vadd.s32 v5, v6;
	v6 =	vld [tilespmem:s20+$0xFFFFFF80]  }
0x188: {  	v5 =	vadd.s32 v7, v5;
	v7 =	vld [tilespmem:s20+$0xFFFFFF90]  }
0x189: {  	v5 =	vadd.s32 v8, v5;
	v8 =	vld [tilespmem:s20+$0xFFFFFFA0]  }
0x18a: {  	v5 =	vadd.s32 v9, v5;
	v9 =	vld [tilespmem:s20+$0xFFFFFFB0]  }
0x18b: {  	v5 =	vadd.s32 v10, v5;
	v10 =	vld [tilespmem:s20+$0xFFFFFFC0]  }
0x18c: {  	v5 =	vadd.s32 v11, v5;
	v11 =	vld [tilespmem:s20+$0xFFFFFFD0]  }
0x18d: {  	v5 =	vadd.s32 v6, v5;
	v6 =	vld [tilespmem:s20+$0xFFFFFFE0]  }
0x18e: {  	v5 =	vadd.s32 v7, v5;
	v7 =	vld [tilespmem:s20+$0xFFFFFFF0]  }
0x18f: {  	v5 =	vadd.s32 v8, v5;
	v8 =	vld [tilespmem:s20+$0x0]  }
0x190: {  	v5 =	vadd.s32 v9, v5;
	v9 =	vld [tilespmem:s30+$0xFFFFFF10]  }
0x191: {  	v5 =	vadd.s32 v10, v5;
	v10 =	vld [tilespmem:s30+$0xFFFFFF20]  }
0x192: {  	v5 =	vadd.s32 v11, v5;
	v11 =	vld [tilespmem:s30+$0xFFFFFF30]  }
0x193: {  	v5 =	vadd.s32 v6, v5;
	v6 =	vld [tilespmem:s30+$0xFFFFFF40]  }
0x194: {  	v5 =	vadd.s32 v7, v5;
	v7 =	vld [tilespmem:s30+$0xFFFFFF50]  }
0x195: {  	v5 =	vadd.s32 v8, v5;
	v8 =	vld [tilespmem:s30+$0xFFFFFF60]  }
0x196: {  	(xrf0) =	vadd.scan.msk.s32 $0xffff, v5;
	v5 =	vld [tilespmem:s30+$0xFFFFFF70];
	v9 =	vadd.s32 v9, v10  }
0x197: {  	s31 =	simm.s32 $0x1D1F0;
	v60 =	vld [tilespmem:s30+$0xFFFFFFD0];
	v9 =	vadd.s32 v11, v9  }
0x198: {  	v61 =	vld [tilespmem:s31+$0xFFFFFF30];
	v6 =	vadd.s32 v6, v9  }
0x199: {  	v62 =	vld [tilespmem:s31+$0xFFFFFF40];
	v6 =	vadd.s32 v7, v6  }
0x19a: {  	v10 =	vld [tilespmem:s30+$0xFFFFFFC0];
	v6 =	vadd.s32 v8, v6  }
0x19b: {  	v9 =	vld [tilespmem:s30+$0xFFFFFFE0];
	v5 =	vadd.s32 v5, v6  }
0x19c: {  	v6 =	vld [tilespmem:s31+$0xFFFFFF10];
	v11, _, _ =	vpop (xrf0);
	v5 =	vadd.s32 v12, v5  }
0x19d: {  	(v2sf) =	vpush v11, $0xF;
	v11 =	vld [tilespmem:s31+$0xFFFFFF20];
	v5 =	vadd.s32 v59, v5  }
0x19e: {  	v7 =	vld [tilespmem:s30+$0xFFFFFFF0];
	v5 =	vadd.s32 v14, v5  }
0x19f: {  	v8 =	vld [tilespmem:s30+$0x0];
	v5 =	vadd.s32 v15, v5  }
0x1a0: {  	v63 =	vld [tilespmem:s31+$0xFFFFFF50];
	v5 =	vadd.s32 v10, v5  }
0x1a1: {  	v10 =	vld [tilespmem:s31+$0xFFFFFF60];
	v5 =	vadd.s32 v60, v5  }
0x1a2: {  	v6 =	vadd.s32 v6, v11;
	v11 =	vld [tilespmem:s31+$0xFFFFFF70];
	v5 =	vadd.s32 v9, v5  }
0x1a3: {  	v9 =	vld [tilespmem:s31+$0xFFFFFF80];
	v6 =	vadd.s32 v61, v6;
	v5 =	vadd.s32 v7, v5  }
0x1a4: {  	v7 =	vld [tilespmem:s31+$0xFFFFFF90];
	v6 =	vadd.s32 v62, v6;
	v5 =	vadd.s32 v8, v5  }
0x1a5: {  	v8 =	vld [tilespmem:s31+$0xFFFFFFA0];
	v6 =	vadd.s32 v63, v6;
	(xrf0) =	vadd.scan.msk.s32 $0xffff, v5  }
0x1a6: {  	v5 =	vadd.s32 v10, v6;
	v10 =	vld [tilespmem:s31+$0xFFFFFFB0]  }
0x1a7: {  	v5 =	vadd.s32 v11, v5  }
0x1a8: {  	v5 =	vadd.s32 v9, v5  }
0x1a9: {  	v6 =	vadd.s32 v7, v5  }
0x1aa: {  	v7 =	vadd.s32 v8, v6  }
0x1ab: {  	s18 =	ssub.s32 $0x13C, s18;
	v11 =	vld [tilespmem:s31+$0xFFFFFFC0];
	v8 =	vadd.s32 v10, v7;
	v10, _, _ =	vpop (xrf0)  }
0x1ac: {  	s19 =	simm.s32 $0x0;
	p1 =	por $0x0, $0x0;
	v9 =	vld [tilespmem:s31+$0xFFFFFFD0];
	s21 =	spop (v2sf);
	(v2sf) =	vpush v10, $0xF  }
0x1ad: {  	s25 =	simm.s32 $0xF;
	s24 =	simm.s32 $0xE;
	v5 =	vld [tilespmem:s31+$0xFFFFFFE0];
	s23 =	sadd.s32 $0x0, s21  }
0x1ae: {  	s26 =	simm.s32 $0x1D0F0;
	p0 =	por !p1, !p1;
	v6 =	vld [tilespmem:s31+$0xFFFFFFF0];
	p2 =	sge.s32 s23, s18  }
0x1af: {  	s22 =	simm.s32 $0xC;
	s28 =	simm.s32 $0xB;
	v7 =	vld [tilespmem:s31+$0x0];
	p0 =	por !p2, !p0  }
0x1b0: {  	s20 =	simm.s32 $0x0;
	v11 =	vadd.s32 v11, v8;
	v8 =	vld [tilespmem:s26+$0xFFFFFF10];
	s21 =	simm.s32 $0xD;
	p0 =	por !p0, !p0  }
0x1b1: {  	v10 =	vld [tilespmem:s26+$0xFFFFFF20];
	v9 =	vadd.s32 v9, v11;
	s20 =	smov.u32 @p0 s25;
	s19 =	smov.u32 @p0 s19;
	s25 =	smov.u32 s23  }
.LBB2_27:
0x1b2: {  	p0 =	seq.s32 s28, $0x0;
	v11 =	vld [tilespmem:s26+$0xFFFFFF30];
	v5 =	vadd.s32 v5, v9;
	s29 =	smov.u32 s22;
	s22 =	smov.u32 s28  }
0x1b3: {  	v9 =	vld [tilespmem:s26+$0xFFFFFF40];
	v5 =	vadd.s32 v6, v5  }
0x1b4: {  	v6 =	vld [tilespmem:s26+$0xFFFFFF50];
	v5 =	vadd.s32 v7, v5  }
0x1b5: {  	v7 =	vld [tilespmem:s26+$0xFFFFFF60];
	(xrf0) =	vadd.scan.msk.s32 $0xffff, v5  }
0x1b6: {  	v5 =	vadd.s32 v8, v10;
	v8 =	vld [tilespmem:s26+$0xFFFFFF70]  }
0x1b7: {  	v5 =	vadd.s32 v11, v5;
	v10 =	vld [tilespmem:s26+$0xFFFFFF80]  }
0x1b8: {  	v5 =	vadd.s32 v9, v5;
	v9 =	vld [tilespmem:s26+$0xFFFFFF90]  }
0x1b9: {  	v5 =	vadd.s32 v6, v5;
	v6 =	vld [tilespmem:s26+$0xFFFFFFA0]  }
0x1ba: {  	v5 =	vadd.s32 v7, v5;
	v7 =	vld [tilespmem:s26+$0xFFFFFFB0]  }
0x1bb: {  	v5 =	vadd.s32 v8, v5;
	v11 =	vld [tilespmem:s26+$0xFFFFFFC0];
	v8, _, _ =	vpop (xrf0);
	s30 =	spop (v2sf)  }
0x1bc: {  	p1 =	por p1, p2;
	v5 =	vadd.s32 v10, v5;
	v12 =	vld [tilespmem:s26+$0xFFFFFFD0];
	(v2sf) =	vpush v8, $0xF;
	s23 =	sadd.s32 s23, s30  }
.Ltmp14:
0x1bd: {  	p3 =	por !p1, !p1;
	v8 =	vadd.s32 v9, v5;
	v5 =	vld [tilespmem:s26+$0xFFFFFFE0];
	p2 =	sge.s32 s23, s18;
	(pc) =	sbr.rel @!p0 .LBB2_27-.Ltmp14, $4  }
0x1be: {  	v8 =	vadd.s32 v6, v8;
	v6 =	vld [tilespmem:s26+$0xFFFFFFF0];
	p3 =	por !p2, !p3  }
0x1bf: {  	v9 =	vadd.s32 v7, v8;
	v7 =	vld [tilespmem:s26+$0x0];
	s26 =	sadd.s32 $0xFFFFFF00, s26;
	p3 =	por !p3, !p3  }
0x1c0: {  	v8 =	vld [tilespmem:s26+$0xFFFFFF10];
	v9 =	vadd.s32 v11, v9;
	s20 =	smov.u32 @p3 s24;
	s19 =	smov.u32 @p3 s25;
	s25 =	smov.u32 s23  }
0x1c1: {  	s28 =	sadd.s32 $0xFFFFFFFF, s28;
	s24 =	smov.u32 s21;
	s21 =	smov.u32 s29;
	v10 =	vld [tilespmem:s26+$0xFFFFFF20];
	v9 =	vadd.s32 v12, v9  }
0x1c2: {  	v11 =	vld [tilespmem:s26+$0xFFFFFF30]  }
0x1c3: {  	v12 =	vld [tilespmem:s26+$0xFFFFFF40]  }
0x1c4: {  	v13 =	vld [tilespmem:s26+$0xFFFFFF50]  }
0x1c5: {  	v14 =	vld [tilespmem:s26+$0xFFFFFF60]  }
0x1c6: {  	v54 =	vld [tilespmem:s26+$0xFFFFFF70];
	v8 =	vadd.s32 v8, v10  }
0x1c7: {  	v55 =	vld [tilespmem:s26+$0xFFFFFF80];
	v8 =	vadd.s32 v11, v8  }
0x1c8: {  	v56 =	vld [tilespmem:s26+$0xFFFFFF90];
	v8 =	vadd.s32 v12, v8  }
0x1c9: {  	v57 =	vld [tilespmem:s26+$0xFFFFFFA0];
	v8 =	vadd.s32 v13, v8  }
0x1ca: {  	v58 =	vld [tilespmem:s26+$0xFFFFFFB0];
	v8 =	vadd.s32 v14, v8  }
0x1cb: {  	v59 =	vld [tilespmem:s26+$0xFFFFFFC0];
	v8 =	vadd.s32 v54, v8  }
0x1cc: {  	v60 =	vld [tilespmem:s26+$0xFFFFFFD0];
	v8 =	vadd.s32 v55, v8  }
0x1cd: {  	v61 =	vld [tilespmem:s26+$0xFFFFFFE0];
	v8 =	vadd.s32 v56, v8  }
0x1ce: {  	v62 =	vld [tilespmem:s26+$0xFFFFFFF0];
	v8 =	vadd.s32 v57, v8  }
0x1cf: {  	v63 =	vld [tilespmem:s26+$0x0];
	v8 =	vadd.s32 v58, v8  }
0x1d0: {  	v5 =	vadd.s32 v5, v9;
	v8 =	vadd.s32 v59, v8  }
0x1d1: {  	v5 =	vadd.s32 v6, v5;
	v6 =	vadd.s32 v60, v8  }
0x1d2: {  	v5 =	vadd.s32 v7, v5;
	v6 =	vadd.s32 v61, v6  }
0x1d3: {  	(xrf0) =	vadd.scan.msk.s32 $0xffff, v5;
	v5 =	vadd.s32 v62, v6  }
0x1d4: {  	v5 =	vadd.s32 v63, v5  }
0x1d5: {  	(xrf0) =	vadd.scan.msk.s32 $0xffff, v5;
	_ =	sdelay $0x3  }
0x1d6: {  	v5, _, _ =	vpop (xrf0)  }
0x1d7: {  	(v2sf) =	vpush v5, $0xF  }
0x1d8: {  	v5, _, _ =	vpop (xrf0)  }
0x1d9: {  	(v2sf) =	vpush v5, $0xF;
	_ =	sdelay $0x8  }
0x1da: {  	s29 =	spop (v2sf)  }
0x1db: {  	p0 =	por p1, p2;
	s23 =	sadd.s32 s23, s29  }
0x1dc: {  	p1 =	por !p0, !p0;
	p3 =	sge.s32 s23, s18  }
0x1dd: {  	p1 =	por !p3, !p1  }
0x1de: {  	p1 =	por !p1, !p1;
	s30 =	spop (v2sf)  }
0x1df: {  	s20 =	smov.u32 @p1 s24;
	s24 =	sadd.s32 s23, s30  }
0x1e0: {  	p0 =	por p0, p3;
	p5 =	sge.s32 s24, s18;
	s31 =	spop (v2sf)  }
0x1e1: {  	p3 =	por !p0, !p0;
	p0 =	por p0, p5;
	s26 =	sadd.s32 s24, s31  }
0x1e2: {  	p2 =	por !p5, !p3;
	p0 =	por !p0, !p0;
	p6 =	sge.s32 s26, s18  }
0x1e3: {  	s19 =	smov.u32 @p1 s25;
	p1 =	por !p2, !p2;
	p0 =	por !p6, !p0  }
0x1e4: {  	s20 =	smov.u32 @p1 s21;
	p0 =	por !p0, !p0  }
0x1e5: {  	s20 =	smov.u32 @p0 s22  }
0x1e6: {  	s22 =	sshll.u32 s20, $0xA  }
0x1e7: {  	s21 =	sshra.s32 s22, $0x2  }
0x1e8: {  	s19 =	smov.u32 @p1 s23;
	s23 =	sadd.s32 $0x1C400, s21  }
0x1e9: {  	v5 =	vmov s23;
	_ =	sdelay $0x3  }
0x1ea: {  	s19 =	smov.u32 @p0 s24;
	s24 =	simm.s32 $0xF0  }
0x1eb: {  	v6 =	vld.idx.msk [tilespmem:v5+s24+$0x0 ss:$0x1], $0xffff  }
0x1ec: {  	s25 =	simm.s32 $0xE0  }
0x1ed: {  	v7 =	vld.idx.msk [tilespmem:v5+s25+$0x0 ss:$0x1], $0xffff;
	_ =	sdelay $0x2  }
0x1ee: {  	(xrf0) =	vadd.scan.msk.s32 $0xffff, v6;
	_ =	sdelay $0x1  }
0x1ef: {  	(xrf0) =	vadd.scan.msk.s32 $0xffff, v7;
	_ =	sdelay $0x3  }
0x1f0: {  	v6, _, _ =	vpop (xrf0)  }
0x1f1: {  	(v2sf) =	vpush v6, $0xF  }
0x1f2: {  	s26 =	simm.s32 $0xD0;
	v6, _, _ =	vpop (xrf0)  }
0x1f3: {  	s28 =	simm.s32 $0xC0;
	(v2sf) =	vpush v6, $0xF;
	v6 =	vld.idx.msk [tilespmem:v5+s26+$0x0 ss:$0x1], $0xffff  }
0x1f4: {  	v7 =	vld.idx.msk [tilespmem:v5+s28+$0x0 ss:$0x1], $0xffff;
	_ =	sdelay $0x3  }
0x1f5: {  	(xrf0) =	vadd.scan.msk.s32 $0xffff, v6  }
0x1f6: {  	(xrf0) =	vadd.scan.msk.s32 $0xffff, v7;
	_ =	sdelay $0x4  }
0x1f7: {  	s29 =	simm.s32 $0xB0;
	v7, _, _ =	vpop (xrf0)  }
0x1f8: {  	v6 =	vld.idx.msk [tilespmem:v5+s29+$0x0 ss:$0x1], $0xffff;
	(v2sf) =	vpush v7, $0xF;
	v7, _, _ =	vpop (xrf0)  }
0x1f9: {  	s30 =	spop (v2sf);
	(v2sf) =	vpush v7, $0xF;
	_ =	sdelay $0x3  }
0x1fa: {  	p1 =	por $0x0, $0x0;
	s31 =	simm.s32 $0xA0;
	s20 =	sshllo.u32 s20, $0x4;
	(xrf0) =	vadd.scan.msk.s32 $0xffff, v6  }
0x1fb: {  	s22 =	smov.u32 s20;
	s21 =	simm.s32 $0x0;
	v6 =	vld.idx.msk [tilespmem:v5+s31+$0x0 ss:$0x1], $0xffff;
	s19 =	sadd.s32 s19, s30  }
0x1fc: {  	s22 =	smov.u32 @p1 s21;
	p0 =	sge.s32 s19, s18  }
0x1fd: {  	s23 =	simm.s32 $0x240;
	s21 =	smov.u32 @p0 s22;
	s22 =	spop (v2sf)  }
.LBB2_29:
0x1fe: {  	s24 =	sshra.s32 s23, $0x2;
	s19 =	sadd.s32 s19, s22  }
0x1ff: {  	s20 =	sadd.s32 $0xFFFFFFFF, s20;
	p2 =	sne.s32 s23, $0x0;
	s23 =	sadd.s32 $0xFFFFFFC0, s23  }
.Ltmp15:
0x200: {  	p1 =	por p1, p0;
	(xrf0) =	vadd.scan.msk.s32 $0xffff, v6;
	v6 =	vld.idx.msk [tilespmem:v5+s24+$0x0 ss:$0x1], $0xffff;
	v7, _, _ =	vpop (xrf0);
	s22 =	smov.u32 s20;
	(pc) =	sbr.rel @p2 .LBB2_29-.Ltmp15, $3  }
0x201: {  	p0 =	sge.s32 s19, s18;
	(v2sf) =	vpush v7, $0xF;
	s22 =	smov.u32 @p1 s21  }
0x202: {  	s21 =	smov.u32 @p0 s22;
	_ =	sdelay $0x2  }
0x203: {  	s22 =	spop (v2sf)  }
0x204: {  	[tilespmem:$0x1D400] =	vst v3  }
0x205: {  	[tilespmem:$0x1D600] =	vst v4  }
0x206: {  	[tilespmem:$0x1D410] =	vst v3  }
0x207: {  	[tilespmem:$0x1D610] =	vst v4  }
0x208: {  	[tilespmem:$0x1D420] =	vst v3  }
0x209: {  	[tilespmem:$0x1D620] =	vst v4  }
0x20a: {  	[tilespmem:$0x1D430] =	vst v3  }
0x20b: {  	[tilespmem:$0x1D630] =	vst v4  }
0x20c: {  	[tilespmem:$0x1D440] =	vst v3  }
0x20d: {  	[tilespmem:$0x1D640] =	vst v4  }
0x20e: {  	[tilespmem:$0x1D450] =	vst v3  }
0x20f: {  	[tilespmem:$0x1D650] =	vst v4  }
0x210: {  	[tilespmem:$0x1D460] =	vst v3  }
0x211: {  	[tilespmem:$0x1D660] =	vst v4  }
0x212: {  	[tilespmem:$0x1D470] =	vst v3  }
0x213: {  	[tilespmem:$0x1D670] =	vst v4  }
0x214: {  	[tilespmem:$0x1D480] =	vst v3  }
0x215: {  	[tilespmem:$0x1D680] =	vst v4  }
0x216: {  	[tilespmem:$0x1D490] =	vst v3  }
0x217: {  	[tilespmem:$0x1D690] =	vst v4  }
0x218: {  	[tilespmem:$0x1D4A0] =	vst v3  }
0x219: {  	[tilespmem:$0x1D6A0] =	vst v4  }
0x21a: {  	[tilespmem:$0x1D4B0] =	vst v3  }
0x21b: {  	[tilespmem:$0x1D6B0] =	vst v4  }
0x21c: {  	[tilespmem:$0x1D4C0] =	vst v3  }
0x21d: {  	[tilespmem:$0x1D6C0] =	vst v4  }
0x21e: {  	[tilespmem:$0x1D4D0] =	vst v3  }
0x21f: {  	[tilespmem:$0x1D6D0] =	vst v4  }
0x220: {  	[tilespmem:$0x1D4E0] =	vst v3  }
0x221: {  	[tilespmem:$0x1D6E0] =	vst v4  }
0x222: {  	v5, _, _ =	vpop (xrf0);
	[tilespmem:$0x1D4F0] =	vst v3  }
0x223: {  	(xrf0) =	vadd.scan.msk.s32 $0xffff, v6;
	[tilespmem:$0x1D6F0] =	vst v4;
	(v2sf) =	vpush v5, $0xF  }
0x224: {  	[tilespmem:$0x1D500] =	vst v3  }
0x225: {  	[tilespmem:$0x1D700] =	vst v4  }
0x226: {  	[tilespmem:$0x1D510] =	vst v3  }
0x227: {  	[tilespmem:$0x1D710] =	vst v4  }
0x228: {  	[tilespmem:$0x1D520] =	vst v3  }
0x229: {  	[tilespmem:$0x1D720] =	vst v4;
	v5, _, _ =	vpop (xrf0)  }
0x22a: {  	[tilespmem:$0x1D530] =	vst v3;
	(v2sf) =	vpush v5, $0xF  }
0x22b: {  	[tilespmem:$0x1D730] =	vst v4  }
0x22c: {  	s20 =	sadd.s32 $0xFFFFFFFF, s20;
	s19 =	sadd.s32 s19, s22;
	[tilespmem:$0x1D540] =	vst v3  }
0x22d: {  	p0 =	por p1, p0;
	s23 =	spop (v2sf);
	[tilespmem:$0x1D740] =	vst v4;
	s24 =	simm.s32 $0x10  }
0x22e: {  	[tilespmem:$0x1D550] =	vst v3;
	s22 =	sadd.s32 $0xFFFFFFFF, s20;
	p1 =	sge.s32 s19, s18;
	s20 =	smov.u32 @p0 s21  }
0x22f: {  	[tilespmem:$0x1D750] =	vst v4;
	s19 =	sadd.s32 s19, s23;
	s21 =	smov.u32 @p1 s20;
	p0 =	por p0, p1  }
0x230: {  	[tilespmem:$0x1D560] =	vst v3;
	s20 =	sadd.s32 $0xFFFFFFFF, s22;
	p1 =	sge.s32 s19, s18;
	s22 =	smov.u32 @p0 s21  }
0x231: {  	[tilespmem:$0x1D760] =	vst v4;
	p0 =	por p0, p1;
	s21 =	smov.u32 @p1 s22;
	s28 =	spop (v2sf)  }
0x232: {  	[tilespmem:$0x1D570] =	vst v3;
	s22 =	simm.s32 $0x30;
	s19 =	sadd.s32 s19, s28;
	s29 =	spop (v2sf)  }
0x233: {  	[tilespmem:$0x1D770] =	vst v4;
	p1 =	sge.s32 s19, s18;
	s25 =	sadd.s32 s19, s29;
	s19 =	simm.s32 $0x0  }
0x234: {  	[tilespmem:$0x1D580] =	vst v3;
	s23 =	sadd.s32 $0xFFFFFFFF, s20;
	s30 =	sand.u32 $0x70, s22;
	s28 =	sand.u32 $0x1FF80, s19  }
0x235: {  	[tilespmem:$0x1D780] =	vst v4;
	s20 =	smov.u32 @p0 s21;
	s29 =	sand.u32 $0x50, s24;
	s30 =	sor.u32 s30, s28  }
0x236: {  	s21 =	smov.u32 @p1 s20;
	s31 =	sor.u32 s29, s28;
	v8 =	vld [tilespmem:s30+$0x0]  }
0x237: {  	p0 =	por p0, p1;
	s20 =	simm.s32 $0x20;
	v5 =	vld [tilespmem:s31+$0x0];
	s31 =	sand.u32 $0x1FFC0, s19  }
0x238: {  	s26 =	sadd.s32 $0xFFFFFFFF, s23;
	s23 =	smov.u32 @p0 s21;
	s30 =	sand.u32 $0x60, s20;
	v6 =	vld [tilespmem:s31+$0x0]  }
0x239: {  	p1 =	sge.s32 s25, s18;
	s28 =	sor.u32 s30, s28;
	s29 =	spop (v2sf)  }
0x23a: {  	s21 =	smov.u32 @p1 s23;
	p0 =	por p0, p1;
	v7 =	vld [tilespmem:s28+$0x0];
	s25 =	sadd.s32 s25, s29  }
0x23b: {  	s26 =	smov.u32 @p0 s21;
	p1 =	sge.s32 s25, s18  }
0x23c: {  	s17 =	sshll.u32 s17, $0x8;
	s21 =	smov.u32 @p1 s26;
	v10 =	vshra.s32 v8, $0x1F  }
0x23d: {  	v11 =	vshra.s32 v5, $0x1F;
	s17 =	sadd.s32 s17, s21;
	v10 =	vor.u32 $0x80000000, v10;
	v12 =	vshra.s32 v6, $0x1F  }
0x23e: {  	v11 =	vor.u32 $0x80000000, v11;
	v9 =	vmov s17;
	v10 =	vxor.u32 v8, v10  }
0x23f: {  	v13 =	vshra.s32 v7, $0x1F;
	v12 =	vor.u32 $0x80000000, v12;
	v10 =	vshrl.u32 v10, $0x10  }
0x240: {  	v13 =	vor.u32 $0x80000000, v13;
	vm2 =	vge.u32 v10, v9;
	v10 =	vxor.u32 v6, v12  }
0x241: {  	v12 =	vxor.u32 v7, v13;
	v13 =	vsel vm2, $0x1, v0;
	v10 =	vshrl.u32 v10, $0x10  }
0x242: {  	v12 =	vshrl.u32 v12, $0x10;
	vm1 =	vge.u32 v10, v9;
	v10 =	vxor.u32 v5, v11  }
0x243: {  	(xrf0) =	vadd.scan.msk.s32 $0xffff, v13;
	vm0 =	vge.u32 v12, v9;
	v11 =	vsel vm1, $0x1, v0;
	v10 =	vshrl.u32 v10, $0x10  }
0x244: {  	vm3 =	vge.u32 v10, v9;
	v10 =	vsel vm0, $0x1, v0;
	(xrf0) =	vadd.scan.msk.s32 $0xffff, v11  }
0x245: {  	v11 =	vmpcnt.ones.xlane vm1;
	v12 =	vsel vm3, $0x1, v0;
	(xrf0) =	vadd.scan.msk.s32 $0xffff, v10  }
0x246: {  	v13 =	vimm.s32 $0x0;
	v10 =	vmpcnt.ones.xlane vm3;
	(xrf0) =	vadd.scan.msk.s32 $0xffff, v12  }
0x247: {  	v12 =	vadd.s32 v13, v11;
	v11 =	vmpcnt.ones.xlane vm0  }
0x248: {  	s18 =	simm.s32 $0x40;
	s21 =	simm.s32 $0x70;
	v15 =	vadd.s32 v12, v10  }
0x249: {  	s31 =	sand.u32 $0x1FF80, s18;
	s30 =	sand.u32 $0x70, s21;
	v14 =	vmpcnt.ones.xlane vm2;
	v16, _, _ =	vpop (xrf0);
	v17 =	vadd.s32 v15, v11  }
0x24a: {  	s17 =	sor.u32 s30, s31;
	v10 =	vor.u32 s22, v1;
	v16 =	vadd.s32 v16, v17;
	v18, _, _ =	vpop (xrf0)  }
0x24b: {  	v14 =	vadd.s32 v17, v14;
	v17 =	vadd.s32 $0xFFFFFFFF, v16;
	v16 =	vld [tilespmem:s17+$0x0];
	s17 =	simm.s32 $0x50;
	v13 =	vadd.s32 v18, v13;
	v18, _, _ =	vpop (xrf0)  }
0x24c: {  	s29 =	sand.u32 $0x1FFC0, s18;
	s22 =	simm.s32 $0x60;
	vm4 =	vlt.s32 v17, $0x18F;
	s26 =	sand.u32 $0x50, s17;
	v19 =	vadd.s32 $0xFFFFFFFF, v13;
	v13 =	vadd.s32 v18, v15;
	v15, _, _ =	vpop (xrf0)  }
0x24d: {  	s30 =	sand.u32 $0x60, s22;
	v22 =	vnsel vm4, $0x18F, v17;
	s25 =	sor.u32 s26, s31;
	v12 =	vadd.s32 v15, v12;
	v17 =	vadd.s32 $0xFFFFFFFF, v13;
	v15 =	vld [tilespmem:s29+$0x0]  }
0x24e: {  	s31 =	sor.u32 s30, s31;
	vm4 =	vlt.s32 v19, $0x18F;
	v13 =	vld [tilespmem:s25+$0x0];
	v12 =	vadd.s32 $0xFFFFFFFF, v12;
	vm5 =	vlt.s32 v17, $0x18F  }
0x24f: {  	v20 =	vnsel vm4, $0x18F, v19;
	v19 =	vnsel vm5, $0x18F, v17;
	v17 =	vld [tilespmem:s31+$0x0]  }
0x250: {  	v21 =	vor.u32 s24, v1;
	vm3 =	vmmov vm3;
	vm4 =	vlt.s32 v12, $0x18F  }
0x251: {  	s23 =	simm.s32 $0x4;
	v11 =	vor.u32 s21, v1;
	v23 =	vshra.s32 v16, $0x1F;
	v18 =	vnsel vm4, $0x18F, v12;
	v12 =	vmovc v14  }
.LBB2_31:
0x252: {  	s23 =	sadd.s32 $0x4, s23;
	v24 =	vshra.s32 v15, $0x1F;
	v23 =	vor.u32 $0x80000000, v23;
	v25 =	vor.u32 s19, v1;
	s19 =	smov.u32 s18  }
0x253: {  	v27 =	vor.u32 s20, v1;
	s20 =	smov.u32 s22;
	p1 =	slt.u32 s23, $0x1C3C;
	v26 =	vshra.s32 v13, $0x1F;
	v23 =	vxor.u32 v16, v23;
	[tilespmem:v22+s11+$0x0] =	vst.idx.msk vm2, v10;
	v10 =	vmovc v11  }
0x254: {  	v11 =	vor.u32 $0x80000000, v26;
	v26 =	vshra.s32 v17, $0x1F;
	v23 =	vshrl.u32 v23, $0x10;
	[tilespmem:v22+s12+$0x0] =	vst.idx.msk vm2, v8;
	v8 =	vmovc v16  }
0x255: {  	v16 =	vor.u32 $0x80000000, v24;
	v22 =	vor.u32 $0x80000000, v26;
	vm2 =	vge.u32 v23, v9;
	[tilespmem:v19+s11+$0x0] =	vst.idx.msk vm0, v27  }
0x256: {  	v16 =	vxor.u32 v15, v16;
	v22 =	vxor.u32 v17, v22;
	v23 =	vsel vm2, $0x1, v0;
	[tilespmem:v20+s11+$0x0] =	vst.idx.msk vm1, v25  }
0x257: {  	v16 =	vshrl.u32 v16, $0x10;
	v22 =	vshrl.u32 v22, $0x10;
	(xrf0) =	vadd.scan.msk.s32 $0xffff, v23;
	[tilespmem:v20+s12+$0x0] =	vst.idx.msk vm1, v6;
	v6 =	vmovc v15  }
0x258: {  	v11 =	vxor.u32 v13, v11;
	vm1 =	vge.u32 v16, v9;
	[tilespmem:v18+s11+$0x0] =	vst.idx.msk vm3, v21  }
0x259: {  	v11 =	vshrl.u32 v11, $0x10;
	v15 =	vsel vm1, $0x1, v0;
	[tilespmem:v19+s12+$0x0] =	vst.idx.msk vm0, v7;
	vm0 =	vge.u32 v22, v9;
	v7 =	vmovc v17  }
0x25a: {  	vm4 =	vge.u32 v11, v9;
	v16 =	vmpcnt.ones.xlane vm1;
	v11 =	vsel vm0, $0x1, v0;
	(xrf0) =	vadd.scan.msk.s32 $0xffff, v15  }
0x25b: {  	v19 =	vsel vm4, $0x1, v0;
	v17 =	vmpcnt.ones.xlane vm4;
	(xrf0) =	vadd.scan.msk.s32 $0xffff, v11;
	[tilespmem:v18+s12+$0x0] =	vst.idx.msk vm3, v5;
	v5 =	vmovc v13  }
0x25c: {  	s21 =	sadd.s32 $0x40, s21;
	v18 =	vadd.s32 v14, v16;
	v13 =	vmpcnt.ones.xlane vm0;
	vm3 =	vmmov vm4;
	(xrf0) =	vadd.scan.msk.s32 $0xffff, v19  }
0x25d: {  	s24 =	sand.u32 $0x70, s21;
	v11 =	vor.u32 s21, v1;
	v14 =	vmpcnt.ones.xlane vm2;
	v17 =	vadd.s32 v18, v17;
	v15, _, _ =	vpop (xrf0)  }
0x25e: {  	s18 =	sadd.s32 $0xFFFFFFD0, s21;
	s25 =	sadd.s32 $0xFFFFFFE0, s21;
	s22 =	sadd.s32 $0xFFFFFFF0, s21;
	v13 =	vadd.s32 v17, v13  }
0x25f: {  	s26 =	sand.u32 $0x1FF80, s18;
	s28 =	sand.u32 $0x50, s25;
	s29 =	sand.u32 $0x60, s22;
	v16 =	vadd.s32 v15, v13;
	v14 =	vadd.s32 v13, v14  }
0x260: {  	s28 =	sor.u32 s28, s26;
	s29 =	sor.u32 s29, s26;
	s24 =	sor.u32 s24, s26;
	v13 =	vadd.s32 $0xFFFFFFFF, v16;
	v15, _, _ =	vpop (xrf0)  }
0x261: {  	s26 =	sand.u32 $0x1FFC0, s18;
	vm4 =	vlt.s32 v13, $0x18F;
	v16 =	vld [tilespmem:s24+$0x0];
	v19 =	vadd.s32 v15, v12;
	v20, _, _ =	vpop (xrf0);
	v12 =	vmov v14  }
.Ltmp16:
0x262: {  	v22 =	vnsel vm4, $0x18F, v13;
	v15 =	vld [tilespmem:s26+$0x0];
	v19 =	vadd.s32 $0xFFFFFFFF, v19;
	v17 =	vadd.s32 v20, v17;
	v20, _, _ =	vpop (xrf0);
	(pc) =	sbr.rel @p1 .LBB2_31-.Ltmp16, $4  }
0x263: {  	v13 =	vld [tilespmem:s28+$0x0];
	vm4 =	vlt.s32 v19, $0x18F;
	v18 =	vadd.s32 v20, v18;
	v21 =	vadd.s32 $0xFFFFFFFF, v17  }
0x264: {  	v17 =	vld [tilespmem:s29+$0x0];
	v20 =	vnsel vm4, $0x18F, v19;
	v18 =	vadd.s32 $0xFFFFFFFF, v18;
	vm4 =	vlt.s32 v21, $0x18F  }
0x265: {  	vm5 =	vlt.s32 v18, $0x18F;
	v19 =	vnsel vm4, $0x18F, v21  }
0x266: {  	v21 =	vor.u32 s17, v1;
	s17 =	smov.u32 s25;
	v23 =	vshra.s32 v16, $0x1F;
	v18 =	vnsel vm5, $0x18F, v18  }
0x267: {  	v23 =	vor.u32 $0x80000000, v23  }
0x268: {  	v24 =	vshra.s32 v15, $0x1F;
	v25 =	vshra.s32 v13, $0x1F;
	v23 =	vxor.u32 v16, v23  }
0x269: {  	v24 =	vor.u32 $0x80000000, v24;
	v25 =	vor.u32 $0x80000000, v25;
	v23 =	vshrl.u32 v23, $0x10  }
0x26a: {  	v26 =	vshra.s32 v17, $0x1F;
	v24 =	vxor.u32 v15, v24;
	vm6 =	vge.u32 v23, v9  }
0x26b: {  	v26 =	vor.u32 $0x80000000, v26;
	v24 =	vshrl.u32 v24, $0x10;
	v43 =	vsel vm6, $0x1, v0  }
0x26c: {  	v44 =	vxor.u32 v13, v25;
	v42 =	vxor.u32 v17, v26;
	vm4 =	vge.u32 v24, v9;
	(xrf0) =	vadd.scan.msk.s32 $0xffff, v43  }
0x26d: {  	v46 =	vshrl.u32 v44, $0x10;
	v23 =	vshrl.u32 v42, $0x10;
	v45 =	vsel vm4, $0x1, v0  }
0x26e: {  	v48 =	vmpcnt.ones.xlane vm4;
	vm7 =	vge.u32 v46, v9;
	vm5 =	vge.u32 v23, v9;
	(xrf0) =	vadd.scan.msk.s32 $0xffff, v45  }
0x26f: {  	v9 =	vmpcnt.ones.xlane vm7;
	v47 =	vsel vm5, $0x1, v0  }
0x270: {  	v14 =	vadd.s32 v14, v48;
	v49 =	vmpcnt.ones.xlane vm5;
	(xrf0) =	vadd.scan.msk.s32 $0xffff, v47  }
0x271: {  	v23 =	vsel vm7, $0x1, v0;
	v9 =	vadd.s32 v14, v9  }
0x272: {  	(xrf0) =	vadd.scan.msk.s32 $0xffff, v23;
	v24 =	vadd.s32 v9, v49;
	v50, _, _ =	vpop (xrf0)  }
0x273: {  	[tilespmem:v22+s11+$0x0] =	vst.idx.msk vm2, v10;
	v51 =	vadd.s32 v50, v24  }
0x274: {  	v55 =	vor.u32 s19, v1;
	[tilespmem:v18+s11+$0x0] =	vst.idx.msk vm3, v21;
	v52, _, _ =	vpop (xrf0);
	v10 =	vadd.s32 $0xFFFFFFFF, v51  }
0x275: {  	[tilespmem:v20+s11+$0x0] =	vst.idx.msk vm1, v55;
	v58 =	vadd.s32 v52, v12;
	vm11 =	vlt.s32 v10, $0x18F  }
0x276: {  	[tilespmem:v20+s12+$0x0] =	vst.idx.msk vm1, v6;
	v54, _, _ =	vpop (xrf0);
	v6 =	vadd.s32 $0xFFFFFFFF, v58;
	v57 =	vnsel vm11, $0x18F, v10  }
0x277: {  	v53 =	vor.u32 s20, v1;
	[tilespmem:v22+s12+$0x0] =	vst.idx.msk vm2, v8;
	v56 =	vadd.s32 v54, v9;
	vm13 =	vlt.s32 v6, $0x18F  }
0x278: {  	[tilespmem:v19+s11+$0x0] =	vst.idx.msk vm0, v53;
	v59, _, _ =	vpop (xrf0);
	v8 =	vadd.s32 $0xFFFFFFFF, v56;
	v6 =	vnsel vm13, $0x18F, v6  }
0x279: {  	[tilespmem:v18+s12+$0x0] =	vst.idx.msk vm3, v5;
	v60 =	vadd.s32 v59, v14;
	vm12 =	vlt.s32 v8, $0x18F  }
0x27a: {  	[tilespmem:v19+s12+$0x0] =	vst.idx.msk vm0, v7;
	v7 =	vnsel vm12, $0x18F, v8;
	v8 =	vadd.s32 $0xFFFFFFFF, v60  }
0x27b: {  	vm15 =	vlt.s32 v8, $0x18F;
	[tilespmem:v57+s11+$0x0] =	vst.idx.msk vm6, v11  }
0x27c: {  	v62 =	vor.u32 s18, v1;
	v5 =	vnsel vm15, $0x18F, v8;
	[tilespmem:v57+s12+$0x0] =	vst.idx.msk vm6, v16  }
0x27d: {  	[tilespmem:v6+s11+$0x0] =	vst.idx.msk vm4, v62  }
0x27e: {  	v61 =	vor.u32 s22, v1;
	s16 =	sshll.u32 s16, $0x7;
	[tilespmem:v6+s12+$0x0] =	vst.idx.msk vm4, v15  }
0x27f: {  	s16 =	sand.u32 $0x380, s16;
	[tilespmem:v7+s11+$0x0] =	vst.idx.msk vm5, v61  }
0x280: {  	v63 =	vor.u32 s17, v1;
	s16 =	sor.u32 s7, s16;
	[tilespmem:v7+s12+$0x0] =	vst.idx.msk vm5, v17  }
0x281: {  	s31 =	sshrl.u32 s16, $0x3;
	[tilespmem:v5+s11+$0x0] =	vst.idx.msk vm7, v63  }
0x282: {  	s16 =	sadd.s32 s1, s31;
	[tilespmem:v5+s12+$0x0] =	vst.idx.msk vm7, v13  }
0x283: {  	[hbm4b:s16+s13] =	stream.strided.scatter [tilespmem:s12], [sflag:$0x1], $0x180, s14, s13, $0x38;
	[tilespmem:$0x1D800] =	vst v63  }
0x284: {  	s16 =	simm.s32 $0x1  }
0x285: {  	_ =	swait.ge [sflag:s16], $0x180  }
0x286: {  	[sflag:s16] =	ssyncset.done $0x0  }
0x287: {  	s17 =	sadd.s32 s2, s31;
	[sflag:s16] =	ssyncadd.s32 $0xFFFFFE80  }
0x288: {  	[hbm4b:s17+s13] =	stream.strided.scatter [tilespmem:s11], [sflag:$0x1], $0x180, s14, s13, $0x38;
	[tilespmem:$0x1D800] =	vst v63  }
.Ltmp17:
0x289: {  	_ = 	snop;
	(pc) =	sbr.rel @p4 .LBB2_2-.Ltmp17, $4  }
.Ltmp18:
0x28a: {  	_ = 	snop;
	(pc) =	sbr.rel @!p4 .LBB2_33-.Ltmp18, $4  }
0x28b: {  	_ =	swait.ge [sflag:s16], $0x180  }
0x28c: {  	[sflag:s16] =	ssyncset.done $0x0  }
0x28d: {  	p0 =	por $0x0, $0x0;
	vm14 =	vmmov vm7;
	[sflag:s16] =	ssyncadd.s32 $0xFFFFFE80  }
0x28e: {  	_ = 	snop  }
.LBB2_9:
0x28f: {  	p0 =	por $0x0, $0x0  }
0x290: {  	s20 =	simm.s32 @!p0 $0x0  }
0x291: {  	s20 =	simm.s32 @p0 $0x1;
	p0 =	por $0x0, $0x0  }
0x292: {  	[smem:$0x7F9] =	sst s20;
	s20 =	simm.s32 @!p0 $0x0  }
0x293: {  	s20 =	simm.s32 @p0 $0x1;
	p0 =	por $0x0, $0x0  }
.Ltmp19:
0x294: {  	[smem:$0x7FA] =	sst s20;
	s20 =	simm.s32 @!p0 $0x0;
	(pc) =	sbr.rel .LBB2_22-.Ltmp19, $4  }
0x295: {  	s20 =	simm.s32 @p0 $0x1;
	p0 =	por $0x0, $0x0  }
0x296: {  	s21 =	smov.u32 s19;
	[smem:$0x7FB] =	sst s20;
	s20 =	simm.s32 @!p0 $0x0  }
0x297: {  	s23 =	simm.s32 $0x0;
	p6 =	por $0x0, $0x0;
	s20 =	simm.s32 @p0 $0x1  }
0x298: {  	s25 =	smov.u32 s18;
	[smem:$0x7FC] =	sst s20;
	s20 =	smov.u32 s18  }
.LBB2_11:
0x299: {  	p0 =	por $0x0, $0x0  }
0x29a: {  	s20 =	simm.s32 @!p0 $0x0  }
0x29b: {  	s20 =	simm.s32 @p0 $0x1;
	p0 =	por $0x1, $0x1  }
0x29c: {  	[smem:$0x7F9] =	sst s20;
	s20 =	simm.s32 @!p0 $0x0  }
0x29d: {  	s20 =	simm.s32 @p0 $0x1;
	p0 =	por $0x0, $0x0  }
.Ltmp20:
0x29e: {  	[smem:$0x7FA] =	sst s20;
	s20 =	simm.s32 @!p0 $0x0;
	(pc) =	sbr.rel .LBB2_22-.Ltmp20, $4  }
0x29f: {  	s20 =	simm.s32 @p0 $0x1;
	p0 =	por $0x0, $0x0  }
0x2a0: {  	s21 =	smov.u32 s19;
	[smem:$0x7FB] =	sst s20;
	s20 =	simm.s32 @!p0 $0x0  }
0x2a1: {  	s23 =	simm.s32 $0x0;
	p6 =	por $0x0, $0x0;
	s20 =	simm.s32 @p0 $0x1  }
0x2a2: {  	s25 =	smov.u32 s18;
	v5 =	vmov v7;
	[smem:$0x7FC] =	sst s20;
	s20 =	smov.u32 s18  }
.LBB2_13:
0x2a3: {  	p0 =	por $0x0, $0x0  }
0x2a4: {  	s20 =	simm.s32 @!p0 $0x0  }
0x2a5: {  	s20 =	simm.s32 @p0 $0x1;
	p0 =	por $0x1, $0x1  }
0x2a6: {  	[smem:$0x7F9] =	sst s20;
	s20 =	simm.s32 @!p0 $0x0  }
0x2a7: {  	s20 =	simm.s32 @p0 $0x1;
	p0 =	por $0x1, $0x1  }
.Ltmp21:
0x2a8: {  	[smem:$0x7FA] =	sst s20;
	s20 =	simm.s32 @!p0 $0x0;
	(pc) =	sbr.rel .LBB2_22-.Ltmp21, $4  }
0x2a9: {  	s20 =	simm.s32 @p0 $0x1;
	p0 =	por $0x0, $0x0  }
0x2aa: {  	s21 =	smov.u32 s19;
	[smem:$0x7FB] =	sst s20;
	s20 =	simm.s32 @!p0 $0x0  }
0x2ab: {  	s23 =	simm.s32 $0x0;
	p6 =	por $0x0, $0x0;
	s20 =	simm.s32 @p0 $0x1  }
0x2ac: {  	s25 =	smov.u32 s18;
	[smem:$0x7FC] =	sst s20;
	s20 =	smov.u32 s18  }
.LBB2_15:
0x2ad: {  	p0 =	por $0x1, $0x1  }
0x2ae: {  	s20 =	simm.s32 @!p0 $0x0  }
0x2af: {  	s20 =	simm.s32 @p0 $0x1;
	p0 =	por $0x1, $0x1  }
.Ltmp22:
0x2b0: {  	[smem:$0x7F9] =	sst s20;
	s20 =	simm.s32 @!p0 $0x0;
	(pc) =	sbr.rel .LBB2_22-.Ltmp22, $4  }
0x2b1: {  	s20 =	simm.s32 @p0 $0x1;
	p0 =	por $0x0, $0x0  }
0x2b2: {  	s21 =	smov.u32 s19;
	[smem:$0x7FA] =	sst s20;
	s20 =	simm.s32 @!p0 $0x0  }
0x2b3: {  	s23 =	simm.s32 $0x0;
	p6 =	por $0x0, $0x0;
	s20 =	simm.s32 @p0 $0x1  }
0x2b4: {  	s25 =	smov.u32 s18;
	v5 =	vmov v7;
	[smem:$0x7FC] =	sst s20;
	s20 =	smov.u32 s18  }
0x2b5: {  	_ = 	snop  }
.LBB2_17:
0x2b6: {  	p0 =	por $0x1, $0x1;
	s24 =	smov.u32 s22  }
.Ltmp23:
0x2b7: {  	s21 =	smov.u32 s19;
	s20 =	simm.s32 @!p0 $0x0;
	(pc) =	sbr.rel .LBB2_22-.Ltmp23, $4  }
0x2b8: {  	s23 =	simm.s32 $0x0;
	s20 =	simm.s32 @p0 $0x1;
	p0 =	por $0x1, $0x1  }
0x2b9: {  	p6 =	por $0x0, $0x0;
	[smem:$0x7F9] =	sst s20;
	s20 =	simm.s32 @!p0 $0x0  }
0x2ba: {  	s26 =	smov.u32 s18;
	s25 =	smov.u32 s18;
	s20 =	simm.s32 @p0 $0x1  }
0x2bb: {  	p3 =	por $0x0, $0x0;
	[smem:$0x7FA] =	sst s20;
	s20 =	smov.u32 s18  }
.LBB2_19:
.Ltmp24:
0x2bc: {  	(pc) =	sbr.rel .LBB2_22-.Ltmp24, $4  }
0x2bd: {  	p2 =	por $0x1, $0x1  }
0x2be: {  	s21 =	simm.s32 @!p2 $0x0  }
0x2bf: {  	s23 =	simm.s32 $0x0;
	p6 =	por $0x0, $0x0;
	s21 =	simm.s32 @p2 $0x1  }
0x2c0: {  	s26 =	smov.u32 s20;
	[smem:$0x7FA] =	sst s21;
	s21 =	smov.u32 s19  }
.LBB2_34:
0x2c1: {  	_ =	sfence.sel $0x180000  }
0x2c2: {  	[bflag:$0x0] =	sbarrier.arrive $0xFFFF  }
0x2c3: {  	p0 =	sne.s32 s4, $0x0;
	_ =	strace $0x90000047  }
0x2c4: {  	s0 =	sadd.s32 @!p0 $0x100000, s0;
	[bflag:$0x2] =	sbarrier.arrive $0xFFFF  }
0x2c5: {  	[sflag:s0] =	ssyncadd.tile.s32 @!p0 $0x1;
	_ =	shalt  }
.Lfunc_end2:
_tile_overlayer_lowered:
.L_overlay_start_2:
0x2c6: {  	(tag) =	ssettag $0x2  }
0x2c7: {  	s0 =	rddreg [dreg:$0x0];
	s2 =	stileid.u32  }
0x2c8: {  	s1 =	rddreg [dreg:$0x1];
	p0 =	sne.s32 s2, $0x0  }
0x2c9: {  	s3 =	rddreg [dreg:$0x2];
	[bflag:$0x3] =	sbarrier.arrive $0xFFFF;
	s2 =	simm.s32 @!p0 $0x1C01  }
0x2ca: {  	[timem:s3], [sflag:s2] =	dma.local @!p0 [hbm:s0], s1  }
0x2cb: {  	s0 =	simm.s32 @!p0 $0x1  }
0x2cc: {  	_ =	swait.ge @!p0 [sflag:s0], s1  }
0x2cd: {  	s1 =	ssub.s32 @!p0 $0x0, s1;
	[sflag:s0] =	ssyncset.done @!p0 $0x0  }
0x2ce: {  	[sflag:s0] =	ssyncadd.s32 @!p0 s1  }
0x2cf: {  	[bflag:$0x3] =	sbarrier.arrive $0xFFFF  }
0x2d0: {  	_ =	shalt  }

</sc_bundles>
